<compile_context>
chip_gen: v7x
topology: tpu7x:2x2x1
jax: 0.10.2.dev20260603
libtpu: 0.0.44.dev20260713+nightly
codegen_flags: <defaults>
</compile_context>

<pallas_src>
import functools

import numpy as np
import jax
import jax.numpy as jnp
from jax import lax
from jax.experimental import pallas as pl
from jax.experimental.pallas import tpu as pltpu
from jax.experimental.pallas import tpu_sc as plsc

_RES = (16, 32, 64, 128, 256, 512, 1024)
_B = 1048576
_NC, _NS = 2, 16
_NW = _NC * _NS
_PER_W = _B // _NW
_C = 1024
_NCHUNK = _PER_W // _C
_NV = _C // 16
_NROW = _C // 128
_OFFS = (0, 256, 1280, 5376, 21760)
_SMALL_TOT = 87296
_CLIP = np.float32(1.0 - 1e-6)
_HI = np.int32(-65536)
_HALF = np.int32(0x8000)


def _unpack(v):
    f0 = plsc.bitcast(lax.shift_left(v, 16), jnp.float32)
    f1 = plsc.bitcast(lax.bitwise_and(v, _HI), jnp.float32)
    return f0, f1


def _interp_pack(v00, v10, v01, v11, fx, fy):
    a00, b00 = _unpack(v00)
    a10, b10 = _unpack(v10)
    a01, b01 = _unpack(v01)
    a11, b11 = _unpack(v11)
    omx = 1.0 - fx
    omy = 1.0 - fy
    a0 = a00 * omx + a10 * fx
    a1 = a01 * omx + a11 * fx
    b0 = b00 * omx + b10 * fx
    b1 = b01 * omx + b11 * fx
    a = a0 * omy + a1 * fy
    b = b0 * omy + b1 * fy
    pa = plsc.bitcast(a, jnp.int32)
    pb = plsc.bitcast(b, jnp.int32)
    lo = lax.shift_right_logical(pa + _HALF, 16)
    hi = lax.bitwise_and(pb + _HALF, _HI)
    return lax.bitwise_or(lo, hi)


def _cell(xv, yv, r):
    xs = xv * np.float32(r - 1)
    ys = yv * np.float32(r - 1)
    x0 = xs.astype(jnp.int32)
    y0 = ys.astype(jnp.int32)
    fx = xs - x0.astype(jnp.float32)
    fy = ys - y0.astype(jnp.float32)
    return y0 * r + x0, fx, fy


def _sc_body(x_hbm, y_hbm, tbls_hbm, tbl5_hbm, tbl6_hbm, out_hbm,
             tbl_v, x_v, y_v, out_v,
             i5a, i5b, i5c, i5d, i6a, i6b, i6c, i6d,
             g0, g1, g2, g3, sem):
    cid = lax.axis_index("c")
    sid = lax.axis_index("s")
    wid = sid * _NC + cid
    pltpu.sync_copy(tbls_hbm, tbl_v)
    iota7 = lax.iota(jnp.int32, 16) * 7

    gs = (g0, g1, g2, g3)

    def do_chunk(ci, carry):
        base = wid * _PER_W + ci * _C
        pltpu.sync_copy(x_hbm.at[pl.ds(base, _C)], x_v)
        pltpu.sync_copy(y_hbm.at[pl.ds(base, _C)], y_v)

        def pass1(i, c):
            xv = jnp.minimum(jnp.maximum(x_v[pl.ds(i * 16, 16)], 0.0), _CLIP)
            yv = jnp.minimum(jnp.maximum(y_v[pl.ds(i * 16, 16)], 0.0), _CLIP)
            obase = iota7 + i * (16 * 7)
            for li in range(5):
                r = _RES[li]
                i00, fx, fy = _cell(xv, yv, r)
                o = _OFFS[li]
                v00 = plsc.load_gather(tbl_v, [i00 + o])
                v10 = plsc.load_gather(tbl_v, [i00 + (o + 1)])
                v01 = plsc.load_gather(tbl_v, [i00 + (o + r)])
                v11 = plsc.load_gather(tbl_v, [i00 + (o + r + 1)])
                pk = _interp_pack(v00, v10, v01, v11, fx, fy)
                plsc.store_scatter(out_v, [obase + li], pk)
            for li, (ia, ib, ic, id_) in ((5, (i5a, i5b, i5c, i5d)),
                                          (6, (i6a, i6b, i6c, i6d))):
                r = _RES[li]
                i00, _, _ = _cell(xv, yv, r)
                ia[pl.ds(i * 16, 16)] = i00
                ib[pl.ds(i * 16, 16)] = i00 + 1
                ic[pl.ds(i * 16, 16)] = i00 + r
                id_[pl.ds(i * 16, 16)] = i00 + (r + 1)
            return c
        lax.fori_loop(0, _NV, pass1, 0)

        for li, tbl_hbm, idxs in ((5, tbl5_hbm, (i5a, i5b, i5c, i5d)),
                                  (6, tbl6_hbm, (i6a, i6b, i6c, i6d))):
            cps = [pltpu.async_copy(tbl_hbm.at[idxs[k]], gs[k], sem)
                   for k in range(4)]
            for cp in cps:
                cp.wait()

            def pass2(i, c, li=li):
                r = _RES[li]
                xv = jnp.minimum(jnp.maximum(x_v[pl.ds(i * 16, 16)], 0.0),
                                 _CLIP)
                yv = jnp.minimum(jnp.maximum(y_v[pl.ds(i * 16, 16)], 0.0),
                                 _CLIP)
                _, fx, fy = _cell(xv, yv, r)
                v00 = g0[pl.ds(i * 16, 16)]
                v10 = g1[pl.ds(i * 16, 16)]
                v01 = g2[pl.ds(i * 16, 16)]
                v11 = g3[pl.ds(i * 16, 16)]
                pk = _interp_pack(v00, v10, v01, v11, fx, fy)
                plsc.store_scatter(out_v, [iota7 + (i * (16 * 7) + li)], pk)
                return c
            lax.fori_loop(0, _NV, pass2, 0)

        pltpu.sync_copy(out_v, out_hbm.at[pl.ds(base * 7, _C * 7)])
        return carry
    lax.fori_loop(0, _NCHUNK, do_chunk, 0)


_sc_call = functools.partial(
    pl.kernel,
    out_type=jax.ShapeDtypeStruct((_B * 7,), jnp.int32),
    mesh=plsc.VectorSubcoreMesh(core_axis_name="c", subcore_axis_name="s",
                                num_cores=_NC, num_subcores=_NS),
    scratch_types=[
        pltpu.VMEM((_SMALL_TOT,), jnp.int32),
        pltpu.VMEM((_C,), jnp.float32),
        pltpu.VMEM((_C,), jnp.float32),
        pltpu.VMEM((_C * 7,), jnp.int32),
        pltpu.VMEM((_C,), jnp.int32),
        pltpu.VMEM((_C,), jnp.int32),
        pltpu.VMEM((_C,), jnp.int32),
        pltpu.VMEM((_C,), jnp.int32),
        pltpu.VMEM((_C,), jnp.int32),
        pltpu.VMEM((_C,), jnp.int32),
        pltpu.VMEM((_C,), jnp.int32),
        pltpu.VMEM((_C,), jnp.int32),
        pltpu.VMEM((_C,), jnp.int32),
        pltpu.VMEM((_C,), jnp.int32),
        pltpu.VMEM((_C,), jnp.int32),
        pltpu.VMEM((_C,), jnp.int32),
        pltpu.SemaphoreType.DMA,
    ],
    compiler_params=pltpu.CompilerParams(needs_layout_passes=False),
)(_sc_body)


def kernel(coords, grid0, grid1, grid2, grid3, grid4, grid5, grid6):
    grids = (grid0, grid1, grid2, grid3, grid4, grid5, grid6)
    x = coords[:, 0]
    y = coords[:, 1]
    packed = [lax.bitcast_convert_type(g.astype(jnp.bfloat16), jnp.int32)
              for g in grids]
    small = jnp.concatenate(packed[:5])
    out_i32 = _sc_call(x, y, small, packed[5], packed[6])
    pairs = lax.bitcast_convert_type(out_i32.reshape(_B, 7), jnp.bfloat16)
    return pairs.reshape(_B, 14).astype(jnp.float16)

# --- scband reference (transcript-rebuilt; emitter-appended) ---
"""Pipeline reference for scband-multi-res-feature-grid2-d-8933531976487 (READ-ONLY COPY).

The authoritative reference and input builder live on the scoring server;
editing this copy changes nothing except your own understanding.
"""

import jax, jax.numpy as jnp
import numpy as np

RESOLUTIONS = [16, 32, 64, 128, 256, 512, 1024]
FEATURE_DIM = 2
B = 1048576


def setup_inputs(seed: int = 0) -> dict:
    key = jax.random.key(seed)
    keys = jax.random.split(key, 1 + len(RESOLUTIONS))
    inp = {"coords": jax.random.uniform(keys[0], (B, 2), dtype=jnp.float32)}
    for i, r in enumerate(RESOLUTIONS):
        g = jax.random.uniform(keys[i + 1], (r * r, FEATURE_DIM), dtype=jnp.float32, minval=-1e-4, maxval=1e-4)
        inp[f"grid{i}"] = g.astype(jnp.float16)
    return inp


def _forward(coords, grids):
    coords = jnp.clip(coords, 0.0, 1.0 - 1e-6).astype(jnp.float32)
    x = coords[:, 0]
    y = coords[:, 1]
    feats = []
    for grid, r in zip(grids, RESOLUTIONS):
        xs = x * (r - 1)
        ys = y * (r - 1)
        x0 = jnp.clip(jnp.floor(xs).astype(jnp.int64), 0, r - 2)
        y0 = jnp.clip(jnp.floor(ys).astype(jnp.int64), 0, r - 2)
        fx = (xs - x0.astype(xs.dtype))[:, None]
        fy = (ys - y0.astype(ys.dtype))[:, None]
        x1 = x0 + 1
        y1 = y0 + 1
        idx00 = x0 + y0 * r
        idx10 = x1 + y0 * r
        idx01 = x0 + y1 * r
        idx11 = x1 + y1 * r
        f00 = jnp.take(grid, idx00, axis=0).astype(jnp.float32)
        f10 = jnp.take(grid, idx10, axis=0).astype(jnp.float32)
        f01 = jnp.take(grid, idx01, axis=0).astype(jnp.float32)
        f11 = jnp.take(grid, idx11, axis=0).astype(jnp.float32)
        f0 = f00 * (1.0 - fx) + f10 * fx
        f1 = f01 * (1.0 - fx) + f11 * fx
        f = f0 * (1.0 - fy) + f1 * fy
        feats.append(f.astype(grid.dtype))
    return jnp.concatenate(feats, axis=1)


def reference(coords, grid0, grid1, grid2, grid3, grid4, grid5, grid6):
    return _forward(coords, (grid0, grid1, grid2, grid3, grid4, grid5, grid6))

if __name__ == "__main__":
    import jax
    _d = setup_inputs()
    print(jax.jit(kernel)(*tuple(_d.values())))

</pallas_src>

<mosaic_0001>
#map = affine_map<(d0, d1) -> (0)>
module attributes {stable_mosaic.version = 14 : i64} {
  func.func @_sc_body(%arg0: i32, %arg1: i32, %arg2: memref<1048576xf32, #tpu.memory_space<hbm>>, %arg3: memref<1048576xf32, #tpu.memory_space<hbm>>, %arg4: memref<87296xi32, #tpu.memory_space<hbm>>, %arg5: memref<262144xi32, #tpu.memory_space<hbm>>, %arg6: memref<1048576xi32, #tpu.memory_space<hbm>>, %arg7: memref<7340032xi32, #tpu.memory_space<hbm>>, %arg8: memref<87296xi32, #tpu.memory_space<vmem>>, %arg9: memref<1024xf32, #tpu.memory_space<vmem>>, %arg10: memref<1024xf32, #tpu.memory_space<vmem>>, %arg11: memref<7168xi32, #tpu.memory_space<vmem>>, %arg12: memref<1024xi32, #tpu.memory_space<vmem>>, %arg13: memref<1024xi32, #tpu.memory_space<vmem>>, %arg14: memref<1024xi32, #tpu.memory_space<vmem>>, %arg15: memref<1024xi32, #tpu.memory_space<vmem>>, %arg16: memref<1024xi32, #tpu.memory_space<vmem>>, %arg17: memref<1024xi32, #tpu.memory_space<vmem>>, %arg18: memref<1024xi32, #tpu.memory_space<vmem>>, %arg19: memref<1024xi32, #tpu.memory_space<vmem>>, %arg20: memref<1024xi32, #tpu.memory_space<vmem>>, %arg21: memref<1024xi32, #tpu.memory_space<vmem>>, %arg22: memref<1024xi32, #tpu.memory_space<vmem>>, %arg23: memref<1024xi32, #tpu.memory_space<vmem>>, %arg24: memref<!tpu.dma_semaphore, #tpu.memory_space<semaphore_mem>>) attributes {dimension_semantics = [#tpu.dimension_semantics<core_parallel>, #tpu.dimension_semantics<subcore_parallel>], iteration_bounds = array<i64: 2, 16>, scalar_prefetch = 0 : i64, scratch_operands = 17 : i64, tpu.core_type = #tpu.core_type<sc_vector_subcore>, window_params = [{transform_indices = #map}, {transform_indices = #map}, {transform_indices = #map}, {transform_indices = #map}, {transform_indices = #map}, {transform_indices = #map}]} {
    %mul3A = arith.constant 2 : i32
    %mul3A_0 = arith.muli %arg1, %mul3A : i32
    %add3A = arith.addi %mul3A_0, %arg0 : i32
    "tpu.region"() ({
      %run_scoped3A = tpu.sem_alloc : memref<!tpu.dma_semaphore, #tpu.memory_space<semaphore_mem>>
      tpu.enqueue_dma source(%arg4 : memref<87296xi32, #tpu.memory_space<hbm>>) target(%arg8 : memref<87296xi32, #tpu.memory_space<vmem>>) target_semaphore(%run_scoped3A : memref<!tpu.dma_semaphore, #tpu.memory_space<semaphore_mem>>)
      tpu.wait_dma2 semaphore(%run_scoped3A : memref<!tpu.dma_semaphore, #tpu.memory_space<semaphore_mem>>) src(%arg4 : memref<87296xi32, #tpu.memory_space<hbm>>) dst(%arg8 : memref<87296xi32, #tpu.memory_space<vmem>>)
      tpu.yield
    }) : () -> ()
    %iota3A = tpu.iota {dimensions = array<i32: 0>} : vector<16xi32>
    %mul3A_1 = arith.constant 7 : i32
    %mul3A_2 = vector.broadcast %mul3A_1 : i32 to vector<16xi32>
    %mul3A_3 = arith.muli %iota3A, %mul3A_2 : vector<16xi32>
    %scan3A = arith.constant 0 : i32
    %scan3A_4 = arith.constant 0 : i32
    %scan3A_5 = arith.constant 32 : i32
    %scan3A_6 = arith.addi %scan3A_4, %scan3A_5 : i32
    %scan3A_7 = arith.constant 1 : i32
    scf.for %scan3A_9 = %scan3A_4 to %scan3A_6 step %scan3A_7  : i32 {
      %mul3A_10 = arith.constant 32768 : i32
      %mul3A_11 = arith.muli %add3A, %mul3A_10 : i32
      %mul3A_12 = arith.constant 1024 : i32
      %mul3A_13 = arith.muli %scan3A_9, %mul3A_12 : i32
      %add3A_14 = arith.addi %mul3A_11, %mul3A_13 : i32
      "tpu.region"() ({
        %run_scoped3A = tpu.sem_alloc : memref<!tpu.dma_semaphore, #tpu.memory_space<semaphore_mem>>
        %dma_start3A_65 = tpu.memref_slice %arg2[%add3A_14] : memref<1048576xf32, #tpu.memory_space<hbm>> -> memref<1024xf32, #tpu.memory_space<hbm>>
        %dma_start3A_66 = tpu.memref_slice %arg2[%add3A_14] : memref<1048576xf32, #tpu.memory_space<hbm>> -> memref<1024xf32, #tpu.memory_space<hbm>>
        tpu.enqueue_dma source(%dma_start3A_66 : memref<1024xf32, #tpu.memory_space<hbm>>) target(%arg9 : memref<1024xf32, #tpu.memory_space<vmem>>) target_semaphore(%run_scoped3A : memref<!tpu.dma_semaphore, #tpu.memory_space<semaphore_mem>>)
        %dma_wait3A_67 = tpu.memref_slice %arg2[%add3A_14] : memref<1048576xf32, #tpu.memory_space<hbm>> -> memref<1024xf32, #tpu.memory_space<hbm>>
        %dma_wait3A_68 = tpu.memref_slice %arg2[%add3A_14] : memref<1048576xf32, #tpu.memory_space<hbm>> -> memref<1024xf32, #tpu.memory_space<hbm>>
        tpu.wait_dma2 semaphore(%run_scoped3A : memref<!tpu.dma_semaphore, #tpu.memory_space<semaphore_mem>>) src(%dma_wait3A_68 : memref<1024xf32, #tpu.memory_space<hbm>>) dst(%arg9 : memref<1024xf32, #tpu.memory_space<vmem>>)
        tpu.yield
      }) : () -> ()
      "tpu.region"() ({
        %run_scoped3A = tpu.sem_alloc : memref<!tpu.dma_semaphore, #tpu.memory_space<semaphore_mem>>
        %dma_start3A_65 = tpu.memref_slice %arg3[%add3A_14] : memref<1048576xf32, #tpu.memory_space<hbm>> -> memref<1024xf32, #tpu.memory_space<hbm>>
        %dma_start3A_66 = tpu.memref_slice %arg3[%add3A_14] : memref<1048576xf32, #tpu.memory_space<hbm>> -> memref<1024xf32, #tpu.memory_space<hbm>>
        tpu.enqueue_dma source(%dma_start3A_66 : memref<1024xf32, #tpu.memory_space<hbm>>) target(%arg10 : memref<1024xf32, #tpu.memory_space<vmem>>) target_semaphore(%run_scoped3A : memref<!tpu.dma_semaphore, #tpu.memory_space<semaphore_mem>>)
        %dma_wait3A_67 = tpu.memref_slice %arg3[%add3A_14] : memref<1048576xf32, #tpu.memory_space<hbm>> -> memref<1024xf32, #tpu.memory_space<hbm>>
        %dma_wait3A_68 = tpu.memref_slice %arg3[%add3A_14] : memref<1048576xf32, #tpu.memory_space<hbm>> -> memref<1024xf32, #tpu.memory_space<hbm>>
        tpu.wait_dma2 semaphore(%run_scoped3A : memref<!tpu.dma_semaphore, #tpu.memory_space<semaphore_mem>>) src(%dma_wait3A_68 : memref<1024xf32, #tpu.memory_space<hbm>>) dst(%arg10 : memref<1024xf32, #tpu.memory_space<vmem>>)
        tpu.yield
      }) : () -> ()
      %scan3A_15 = arith.constant 0 : i32
      %scan3A_16 = arith.constant 0 : i32
      %scan3A_17 = arith.constant 64 : i32
      %scan3A_18 = arith.addi %scan3A_16, %scan3A_17 : i32
      %scan3A_19 = arith.constant 1 : i32
      scf.for %scan3A_65 = %scan3A_16 to %scan3A_18 step %scan3A_19  : i32 {
        %mul3A_66 = arith.constant 16 : i32
        %mul3A_67 = arith.muli %scan3A_65, %mul3A_66 : i32
        %get3A = arith.index_cast %mul3A_67 : i32 to index
        %get3A_68 = tpu.vector_load %arg9[%get3A] {strides = array<i32>} : memref<1024xf32, #tpu.memory_space<vmem>>, vector<16xf32>,
        %max3A = arith.constant 0.000000e+00 : f32
        %max3A_69 = vector.broadcast %max3A : f32 to vector<16xf32>
        %max3A_70 = arith.maximumf %get3A_68, %max3A_69 : vector<16xf32>
        %min3A = arith.constant 0.999998986 : f32
        %min3A_71 = vector.broadcast %min3A : f32 to vector<16xf32>
        %min3A_72 = arith.minimumf %max3A_70, %min3A_71 : vector<16xf32>
        %mul3A_73 = arith.constant 16 : i32
        %mul3A_74 = arith.muli %scan3A_65, %mul3A_73 : i32
        %get3A_75 = arith.index_cast %mul3A_74 : i32 to index
        %get3A_76 = tpu.vector_load %arg10[%get3A_75] {strides = array<i32>} : memref<1024xf32, #tpu.memory_space<vmem>>, vector<16xf32>,
        %max3A_77 = arith.constant 0.000000e+00 : f32
        %max3A_78 = vector.broadcast %max3A_77 : f32 to vector<16xf32>
        %max3A_79 = arith.maximumf %get3A_76, %max3A_78 : vector<16xf32>
        %min3A_80 = arith.constant 0.999998986 : f32
        %min3A_81 = vector.broadcast %min3A_80 : f32 to vector<16xf32>
        %min3A_82 = arith.minimumf %max3A_79, %min3A_81 : vector<16xf32>
        %mul3A_83 = arith.constant 112 : i32
        %mul3A_84 = arith.muli %scan3A_65, %mul3A_83 : i32
        %add3A_85 = vector.broadcast %mul3A_84 : i32 to vector<16xi32>
        %add3A_86 = arith.addi %mul3A_3, %add3A_85 : vector<16xi32>
        %mul3A_87 = arith.constant 1.500000e+01 : f32
        %mul3A_88 = vector.broadcast %mul3A_87 : f32 to vector<16xf32>
        %mul3A_89 = arith.mulf %min3A_72, %mul3A_88 : vector<16xf32>
        %mul3A_90 = arith.constant 1.500000e+01 : f32
        %mul3A_91 = vector.broadcast %mul3A_90 : f32 to vector<16xf32>
        %mul3A_92 = arith.mulf %min3A_82, %mul3A_91 : vector<16xf32>
        %convert_element_type3A = arith.fptosi %mul3A_89 : vector<16xf32> to vector<16xi32>
        %convert_element_type3A_93 = arith.fptosi %mul3A_92 : vector<16xf32> to vector<16xi32>
        %convert_element_type3A_94 = arith.sitofp %convert_element_type3A : vector<16xi32> to vector<16xf32>
        %sub3A = arith.subf %mul3A_89, %convert_element_type3A_94 : vector<16xf32>
        %convert_element_type3A_95 = arith.sitofp %convert_element_type3A_93 : vector<16xi32> to vector<16xf32>
        %sub3A_96 = arith.subf %mul3A_92, %convert_element_type3A_95 : vector<16xf32>
        %mul3A_97 = arith.constant 16 : i32
        %mul3A_98 = vector.broadcast %mul3A_97 : i32 to vector<16xi32>
        %mul3A_99 = arith.muli %convert_element_type3A_93, %mul3A_98 : vector<16xi32>
        %add3A_100 = arith.addi %mul3A_99, %convert_element_type3A : vector<16xi32>
        %add3A_101 = arith.constant 0 : i32
        %add3A_102 = vector.broadcast %add3A_101 : i32 to vector<16xi32>
        %add3A_103 = arith.addi %add3A_100, %add3A_102 : vector<16xi32>
        %gather3A = tpu.vector_load_idx %arg8[%add3A_103] : memref<87296xi32, #tpu.memory_space<vmem>>[vector<16xi32>], vector<16xi32>,
        %add3A_104 = arith.constant 1 : i32
        %add3A_105 = vector.broadcast %add3A_104 : i32 to vector<16xi32>
        %add3A_106 = arith.addi %add3A_100, %add3A_105 : vector<16xi32>
        %gather3A_107 = tpu.vector_load_idx %arg8[%add3A_106] : memref<87296xi32, #tpu.memory_space<vmem>>[vector<16xi32>], vector<16xi32>,
        %add3A_108 = arith.constant 16 : i32
        %add3A_109 = vector.broadcast %add3A_108 : i32 to vector<16xi32>
        %add3A_110 = arith.addi %add3A_100, %add3A_109 : vector<16xi32>
        %gather3A_111 = tpu.vector_load_idx %arg8[%add3A_110] : memref<87296xi32, #tpu.memory_space<vmem>>[vector<16xi32>], vector<16xi32>,
        %add3A_112 = arith.constant 17 : i32
        %add3A_113 = vector.broadcast %add3A_112 : i32 to vector<16xi32>
        %add3A_114 = arith.addi %add3A_100, %add3A_113 : vector<16xi32>
        %gather3A_115 = tpu.vector_load_idx %arg8[%add3A_114] : memref<87296xi32, #tpu.memory_space<vmem>>[vector<16xi32>], vector<16xi32>,
        %shift_left3A = arith.constant 16 : i32
        %shift_left3A_116 = vector.broadcast %shift_left3A : i32 to vector<16xi32>
        %shift_left3A_117 = arith.shli %gather3A, %shift_left3A_116 : vector<16xi32>
        %bitcast3A = vector.bitcast %shift_left3A_117 : vector<16xi32> to vector<16xf32>
        %and3A = arith.constant -65536 : i32
        %and3A_118 = vector.broadcast %and3A : i32 to vector<16xi32>
        %and3A_119 = arith.andi %gather3A, %and3A_118 : vector<16xi32>
        %bitcast3A_120 = vector.bitcast %and3A_119 : vector<16xi32> to vector<16xf32>
        %shift_left3A_121 = arith.constant 16 : i32
        %shift_left3A_122 = vector.broadcast %shift_left3A_121 : i32 to vector<16xi32>
        %shift_left3A_123 = arith.shli %gather3A_107, %shift_left3A_122 : vector<16xi32>
        %bitcast3A_124 = vector.bitcast %shift_left3A_123 : vector<16xi32> to vector<16xf32>
        %and3A_125 = arith.constant -65536 : i32
        %and3A_126 = vector.broadcast %and3A_125 : i32 to vector<16xi32>
        %and3A_127 = arith.andi %gather3A_107, %and3A_126 : vector<16xi32>
        %bitcast3A_128 = vector.bitcast %and3A_127 : vector<16xi32> to vector<16xf32>
        %shift_left3A_129 = arith.constant 16 : i32
        %shift_left3A_130 = vector.broadcast %shift_left3A_129 : i32 to vector<16xi32>
        %shift_left3A_131 = arith.shli %gather3A_111, %shift_left3A_130 : vector<16xi32>
        %bitcast3A_132 = vector.bitcast %shift_left3A_131 : vector<16xi32> to vector<16xf32>
        %and3A_133 = arith.constant -65536 : i32
        %and3A_134 = vector.broadcast %and3A_133 : i32 to vector<16xi32>
        %and3A_135 = arith.andi %gather3A_111, %and3A_134 : vector<16xi32>
        %bitcast3A_136 = vector.bitcast %and3A_135 : vector<16xi32> to vector<16xf32>
        %shift_left3A_137 = arith.constant 16 : i32
        %shift_left3A_138 = vector.broadcast %shift_left3A_137 : i32 to vector<16xi32>
        %shift_left3A_139 = arith.shli %gather3A_115, %shift_left3A_138 : vector<16xi32>
        %bitcast3A_140 = vector.bitcast %shift_left3A_139 : vector<16xi32> to vector<16xf32>
        %and3A_141 = arith.constant -65536 : i32
        %and3A_142 = vector.broadcast %and3A_141 : i32 to vector<16xi32>
        %and3A_143 = arith.andi %gather3A_115, %and3A_142 : vector<16xi32>
        %bitcast3A_144 = vector.bitcast %and3A_143 : vector<16xi32> to vector<16xf32>
        %sub3A_145 = arith.constant 1.000000e+00 : f32
        %sub3A_146 = vector.broadcast %sub3A_145 : f32 to vector<16xf32>
        %sub3A_147 = arith.subf %sub3A_146, %sub3A : vector<16xf32>
        %sub3A_148 = arith.constant 1.000000e+00 : f32
        %sub3A_149 = vector.broadcast %sub3A_148 : f32 to vector<16xf32>
        %sub3A_150 = arith.subf %sub3A_149, %sub3A_96 : vector<16xf32>
        %mul3A_151 = arith.mulf %bitcast3A, %sub3A_147 : vector<16xf32>
        %mul3A_152 = arith.mulf %bitcast3A_124, %sub3A : vector<16xf32>
        %add3A_153 = arith.addf %mul3A_151, %mul3A_152 : vector<16xf32>
        %mul3A_154 = arith.mulf %bitcast3A_132, %sub3A_147 : vector<16xf32>
        %mul3A_155 = arith.mulf %bitcast3A_140, %sub3A : vector<16xf32>
        %add3A_156 = arith.addf %mul3A_154, %mul3A_155 : vector<16xf32>
        %mul3A_157 = arith.mulf %bitcast3A_120, %sub3A_147 : vector<16xf32>
        %mul3A_158 = arith.mulf %bitcast3A_128, %sub3A : vector<16xf32>
        %add3A_159 = arith.addf %mul3A_157, %mul3A_158 : vector<16xf32>
        %mul3A_160 = arith.mulf %bitcast3A_136, %sub3A_147 : vector<16xf32>
        %mul3A_161 = arith.mulf %bitcast3A_144, %sub3A : vector<16xf32>
        %add3A_162 = arith.addf %mul3A_160, %mul3A_161 : vector<16xf32>
        %mul3A_163 = arith.mulf %add3A_153, %sub3A_150 : vector<16xf32>
        %mul3A_164 = arith.mulf %add3A_156, %sub3A_96 : vector<16xf32>
        %add3A_165 = arith.addf %mul3A_163, %mul3A_164 : vector<16xf32>
        %mul3A_166 = arith.mulf %add3A_159, %sub3A_150 : vector<16xf32>
        %mul3A_167 = arith.mulf %add3A_162, %sub3A_96 : vector<16xf32>
        %add3A_168 = arith.addf %mul3A_166, %mul3A_167 : vector<16xf32>
        %bitcast3A_169 = vector.bitcast %add3A_165 : vector<16xf32> to vector<16xi32>
        %bitcast3A_170 = vector.bitcast %add3A_168 : vector<16xf32> to vector<16xi32>
        %add3A_171 = arith.constant 32768 : i32
        %add3A_172 = vector.broadcast %add3A_171 : i32 to vector<16xi32>
        %add3A_173 = arith.addi %bitcast3A_169, %add3A_172 : vector<16xi32>
        %shift_right_logical3A = arith.constant 16 : i32
        %shift_right_logical3A_174 = vector.broadcast %shift_right_logical3A : i32 to vector<16xi32>
        %shift_right_logical3A_175 = arith.shrui %add3A_173, %shift_right_logical3A_174 : vector<16xi32>
        %add3A_176 = arith.constant 32768 : i32
        %add3A_177 = vector.broadcast %add3A_176 : i32 to vector<16xi32>
        %add3A_178 = arith.addi %bitcast3A_170, %add3A_177 : vector<16xi32>
        %and3A_179 = arith.constant -65536 : i32
        %and3A_180 = vector.broadcast %and3A_179 : i32 to vector<16xi32>
        %and3A_181 = arith.andi %add3A_178, %and3A_180 : vector<16xi32>
        %or3A = arith.ori %shift_right_logical3A_175, %and3A_181 : vector<16xi32>
        %add3A_182 = arith.constant 0 : i32
        %add3A_183 = vector.broadcast %add3A_182 : i32 to vector<16xi32>
        %add3A_184 = arith.addi %add3A_86, %add3A_183 : vector<16xi32>
        tpu.vector_store_idx %arg11[%add3A_184], %or3A : memref<7168xi32, #tpu.memory_space<vmem>>[vector<16xi32>], vector<16xi32>,
        %mul3A_185 = arith.constant 3.100000e+01 : f32
        %mul3A_186 = vector.broadcast %mul3A_185 : f32 to vector<16xf32>
        %mul3A_187 = arith.mulf %min3A_72, %mul3A_186 : vector<16xf32>
        %mul3A_188 = arith.constant 3.100000e+01 : f32
        %mul3A_189 = vector.broadcast %mul3A_188 : f32 to vector<16xf32>
        %mul3A_190 = arith.mulf %min3A_82, %mul3A_189 : vector<16xf32>
        %convert_element_type3A_191 = arith.fptosi %mul3A_187 : vector<16xf32> to vector<16xi32>
        %convert_element_type3A_192 = arith.fptosi %mul3A_190 : vector<16xf32> to vector<16xi32>
        %convert_element_type3A_193 = arith.sitofp %convert_element_type3A_191 : vector<16xi32> to vector<16xf32>
        %sub3A_194 = arith.subf %mul3A_187, %convert_element_type3A_193 : vector<16xf32>
        %convert_element_type3A_195 = arith.sitofp %convert_element_type3A_192 : vector<16xi32> to vector<16xf32>
        %sub3A_196 = arith.subf %mul3A_190, %convert_element_type3A_195 : vector<16xf32>
        %mul3A_197 = arith.constant 32 : i32
        %mul3A_198 = vector.broadcast %mul3A_197 : i32 to vector<16xi32>
        %mul3A_199 = arith.muli %convert_element_type3A_192, %mul3A_198 : vector<16xi32>
        %add3A_200 = arith.addi %mul3A_199, %convert_element_type3A_191 : vector<16xi32>
        %add3A_201 = arith.constant 256 : i32
        %add3A_202 = vector.broadcast %add3A_201 : i32 to vector<16xi32>
        %add3A_203 = arith.addi %add3A_200, %add3A_202 : vector<16xi32>
        %gather3A_204 = tpu.vector_load_idx %arg8[%add3A_203] : memref<87296xi32, #tpu.memory_space<vmem>>[vector<16xi32>], vector<16xi32>,
        %add3A_205 = arith.constant 257 : i32
        %add3A_206 = vector.broadcast %add3A_205 : i32 to vector<16xi32>
        %add3A_207 = arith.addi %add3A_200, %add3A_206 : vector<16xi32>
        %gather3A_208 = tpu.vector_load_idx %arg8[%add3A_207] : memref<87296xi32, #tpu.memory_space<vmem>>[vector<16xi32>], vector<16xi32>,
        %add3A_209 = arith.constant 288 : i32
        %add3A_210 = vector.broadcast %add3A_209 : i32 to vector<16xi32>
        %add3A_211 = arith.addi %add3A_200, %add3A_210 : vector<16xi32>
        %gather3A_212 = tpu.vector_load_idx %arg8[%add3A_211] : memref<87296xi32, #tpu.memory_space<vmem>>[vector<16xi32>], vector<16xi32>,
        %add3A_213 = arith.constant 289 : i32
        %add3A_214 = vector.broadcast %add3A_213 : i32 to vector<16xi32>
        %add3A_215 = arith.addi %add3A_200, %add3A_214 : vector<16xi32>
        %gather3A_216 = tpu.vector_load_idx %arg8[%add3A_215] : memref<87296xi32, #tpu.memory_space<vmem>>[vector<16xi32>], vector<16xi32>,
        %shift_left3A_217 = arith.constant 16 : i32
        %shift_left3A_218 = vector.broadcast %shift_left3A_217 : i32 to vector<16xi32>
        %shift_left3A_219 = arith.shli %gather3A_204, %shift_left3A_218 : vector<16xi32>
        %bitcast3A_220 = vector.bitcast %shift_left3A_219 : vector<16xi32> to vector<16xf32>
        %and3A_221 = arith.constant -65536 : i32
        %and3A_222 = vector.broadcast %and3A_221 : i32 to vector<16xi32>
        %and3A_223 = arith.andi %gather3A_204, %and3A_222 : vector<16xi32>
        %bitcast3A_224 = vector.bitcast %and3A_223 : vector<16xi32> to vector<16xf32>
        %shift_left3A_225 = arith.constant 16 : i32
        %shift_left3A_226 = vector.broadcast %shift_left3A_225 : i32 to vector<16xi32>
        %shift_left3A_227 = arith.shli %gather3A_208, %shift_left3A_226 : vector<16xi32>
        %bitcast3A_228 = vector.bitcast %shift_left3A_227 : vector<16xi32> to vector<16xf32>
        %and3A_229 = arith.constant -65536 : i32
        %and3A_230 = vector.broadcast %and3A_229 : i32 to vector<16xi32>
        %and3A_231 = arith.andi %gather3A_208, %and3A_230 : vector<16xi32>
        %bitcast3A_232 = vector.bitcast %and3A_231 : vector<16xi32> to vector<16xf32>
        %shift_left3A_233 = arith.constant 16 : i32
        %shift_left3A_234 = vector.broadcast %shift_left3A_233 : i32 to vector<16xi32>
        %shift_left3A_235 = arith.shli %gather3A_212, %shift_left3A_234 : vector<16xi32>
        %bitcast3A_236 = vector.bitcast %shift_left3A_235 : vector<16xi32> to vector<16xf32>
        %and3A_237 = arith.constant -65536 : i32
        %and3A_238 = vector.broadcast %and3A_237 : i32 to vector<16xi32>
        %and3A_239 = arith.andi %gather3A_212, %and3A_238 : vector<16xi32>
        %bitcast3A_240 = vector.bitcast %and3A_239 : vector<16xi32> to vector<16xf32>
        %shift_left3A_241 = arith.constant 16 : i32
        %shift_left3A_242 = vector.broadcast %shift_left3A_241 : i32 to vector<16xi32>
        %shift_left3A_243 = arith.shli %gather3A_216, %shift_left3A_242 : vector<16xi32>
        %bitcast3A_244 = vector.bitcast %shift_left3A_243 : vector<16xi32> to vector<16xf32>
        %and3A_245 = arith.constant -65536 : i32
        %and3A_246 = vector.broadcast %and3A_245 : i32 to vector<16xi32>
        %and3A_247 = arith.andi %gather3A_216, %and3A_246 : vector<16xi32>
        %bitcast3A_248 = vector.bitcast %and3A_247 : vector<16xi32> to vector<16xf32>
        %sub3A_249 = arith.constant 1.000000e+00 : f32
        %sub3A_250 = vector.broadcast %sub3A_249 : f32 to vector<16xf32>
        %sub3A_251 = arith.subf %sub3A_250, %sub3A_194 : vector<16xf32>
        %sub3A_252 = arith.constant 1.000000e+00 : f32
        %sub3A_253 = vector.broadcast %sub3A_252 : f32 to vector<16xf32>
        %sub3A_254 = arith.subf %sub3A_253, %sub3A_196 : vector<16xf32>
        %mul3A_255 = arith.mulf %bitcast3A_220, %sub3A_251 : vector<16xf32>
        %mul3A_256 = arith.mulf %bitcast3A_228, %sub3A_194 : vector<16xf32>
        %add3A_257 = arith.addf %mul3A_255, %mul3A_256 : vector<16xf32>
        %mul3A_258 = arith.mulf %bitcast3A_236, %sub3A_251 : vector<16xf32>
        %mul3A_259 = arith.mulf %bitcast3A_244, %sub3A_194 : vector<16xf32>
        %add3A_260 = arith.addf %mul3A_258, %mul3A_259 : vector<16xf32>
        %mul3A_261 = arith.mulf %bitcast3A_224, %sub3A_251 : vector<16xf32>
        %mul3A_262 = arith.mulf %bitcast3A_232, %sub3A_194 : vector<16xf32>
        %add3A_263 = arith.addf %mul3A_261, %mul3A_262 : vector<16xf32>
        %mul3A_264 = arith.mulf %bitcast3A_240, %sub3A_251 : vector<16xf32>
        %mul3A_265 = arith.mulf %bitcast3A_248, %sub3A_194 : vector<16xf32>
        %add3A_266 = arith.addf %mul3A_264, %mul3A_265 : vector<16xf32>
        %mul3A_267 = arith.mulf %add3A_257, %sub3A_254 : vector<16xf32>
        %mul3A_268 = arith.mulf %add3A_260, %sub3A_196 : vector<16xf32>
        %add3A_269 = arith.addf %mul3A_267, %mul3A_268 : vector<16xf32>
        %mul3A_270 = arith.mulf %add3A_263, %sub3A_254 : vector<16xf32>
        %mul3A_271 = arith.mulf %add3A_266, %sub3A_196 : vector<16xf32>
        %add3A_272 = arith.addf %mul3A_270, %mul3A_271 : vector<16xf32>
        %bitcast3A_273 = vector.bitcast %add3A_269 : vector<16xf32> to vector<16xi32>
        %bitcast3A_274 = vector.bitcast %add3A_272 : vector<16xf32> to vector<16xi32>
        %add3A_275 = arith.constant 32768 : i32
        %add3A_276 = vector.broadcast %add3A_275 : i32 to vector<16xi32>
        %add3A_277 = arith.addi %bitcast3A_273, %add3A_276 : vector<16xi32>
        %shift_right_logical3A_278 = arith.constant 16 : i32
        %shift_right_logical3A_279 = vector.broadcast %shift_right_logical3A_278 : i32 to vector<16xi32>
        %shift_right_logical3A_280 = arith.shrui %add3A_277, %shift_right_logical3A_279 : vector<16xi32>
        %add3A_281 = arith.constant 32768 : i32
        %add3A_282 = vector.broadcast %add3A_281 : i32 to vector<16xi32>
        %add3A_283 = arith.addi %bitcast3A_274, %add3A_282 : vector<16xi32>
        %and3A_284 = arith.constant -65536 : i32
        %and3A_285 = vector.broadcast %and3A_284 : i32 to vector<16xi32>
        %and3A_286 = arith.andi %add3A_283, %and3A_285 : vector<16xi32>
        %or3A_287 = arith.ori %shift_right_logical3A_280, %and3A_286 : vector<16xi32>
        %add3A_288 = arith.constant 1 : i32
        %add3A_289 = vector.broadcast %add3A_288 : i32 to vector<16xi32>
        %add3A_290 = arith.addi %add3A_86, %add3A_289 : vector<16xi32>
        tpu.vector_store_idx %arg11[%add3A_290], %or3A_287 : memref<7168xi32, #tpu.memory_space<vmem>>[vector<16xi32>], vector<16xi32>,
        %mul3A_291 = arith.constant 6.300000e+01 : f32
        %mul3A_292 = vector.broadcast %mul3A_291 : f32 to vector<16xf32>
        %mul3A_293 = arith.mulf %min3A_72, %mul3A_292 : vector<16xf32>
        %mul3A_294 = arith.constant 6.300000e+01 : f32
        %mul3A_295 = vector.broadcast %mul3A_294 : f32 to vector<16xf32>
        %mul3A_296 = arith.mulf %min3A_82, %mul3A_295 : vector<16xf32>
        %convert_element_type3A_297 = arith.fptosi %mul3A_293 : vector<16xf32> to vector<16xi32>
        %convert_element_type3A_298 = arith.fptosi %mul3A_296 : vector<16xf32> to vector<16xi32>
        %convert_element_type3A_299 = arith.sitofp %convert_element_type3A_297 : vector<16xi32> to vector<16xf32>
        %sub3A_300 = arith.subf %mul3A_293, %convert_element_type3A_299 : vector<16xf32>
        %convert_element_type3A_301 = arith.sitofp %convert_element_type3A_298 : vector<16xi32> to vector<16xf32>
        %sub3A_302 = arith.subf %mul3A_296, %convert_element_type3A_301 : vector<16xf32>
        %mul3A_303 = arith.constant 64 : i32
        %mul3A_304 = vector.broadcast %mul3A_303 : i32 to vector<16xi32>
        %mul3A_305 = arith.muli %convert_element_type3A_298, %mul3A_304 : vector<16xi32>
        %add3A_306 = arith.addi %mul3A_305, %convert_element_type3A_297 : vector<16xi32>
        %add3A_307 = arith.constant 1280 : i32
        %add3A_308 = vector.broadcast %add3A_307 : i32 to vector<16xi32>
        %add3A_309 = arith.addi %add3A_306, %add3A_308 : vector<16xi32>
        %gather3A_310 = tpu.vector_load_idx %arg8[%add3A_309] : memref<87296xi32, #tpu.memory_space<vmem>>[vector<16xi32>], vector<16xi32>,
        %add3A_311 = arith.constant 1281 : i32
        %add3A_312 = vector.broadcast %add3A_311 : i32 to vector<16xi32>
        %add3A_313 = arith.addi %add3A_306, %add3A_312 : vector<16xi32>
        %gather3A_314 = tpu.vector_load_idx %arg8[%add3A_313] : memref<87296xi32, #tpu.memory_space<vmem>>[vector<16xi32>], vector<16xi32>,
        %add3A_315 = arith.constant 1344 : i32
        %add3A_316 = vector.broadcast %add3A_315 : i32 to vector<16xi32>
        %add3A_317 = arith.addi %add3A_306, %add3A_316 : vector<16xi32>
        %gather3A_318 = tpu.vector_load_idx %arg8[%add3A_317] : memref<87296xi32, #tpu.memory_space<vmem>>[vector<16xi32>], vector<16xi32>,
        %add3A_319 = arith.constant 1345 : i32
        %add3A_320 = vector.broadcast %add3A_319 : i32 to vector<16xi32>
        %add3A_321 = arith.addi %add3A_306, %add3A_320 : vector<16xi32>
        %gather3A_322 = tpu.vector_load_idx %arg8[%add3A_321] : memref<87296xi32, #tpu.memory_space<vmem>>[vector<16xi32>], vector<16xi32>,
        %shift_left3A_323 = arith.constant 16 : i32
        %shift_left3A_324 = vector.broadcast %shift_left3A_323 : i32 to vector<16xi32>
        %shift_left3A_325 = arith.shli %gather3A_310, %shift_left3A_324 : vector<16xi32>
        %bitcast3A_326 = vector.bitcast %shift_left3A_325 : vector<16xi32> to vector<16xf32>
        %and3A_327 = arith.constant -65536 : i32
        %and3A_328 = vector.broadcast %and3A_327 : i32 to vector<16xi32>
        %and3A_329 = arith.andi %gather3A_310, %and3A_328 : vector<16xi32>
        %bitcast3A_330 = vector.bitcast %and3A_329 : vector<16xi32> to vector<16xf32>
        %shift_left3A_331 = arith.constant 16 : i32
        %shift_left3A_332 = vector.broadcast %shift_left3A_331 : i32 to vector<16xi32>
        %shift_left3A_333 = arith.shli %gather3A_314, %shift_left3A_332 : vector<16xi32>
        %bitcast3A_334 = vector.bitcast %shift_left3A_333 : vector<16xi32> to vector<16xf32>
        %and3A_335 = arith.constant -65536 : i32
        %and3A_336 = vector.broadcast %and3A_335 : i32 to vector<16xi32>
        %and3A_337 = arith.andi %gather3A_314, %and3A_336 : vector<16xi32>
        %bitcast3A_338 = vector.bitcast %and3A_337 : vector<16xi32> to vector<16xf32>
        %shift_left3A_339 = arith.constant 16 : i32
        %shift_left3A_340 = vector.broadcast %shift_left3A_339 : i32 to vector<16xi32>
        %shift_left3A_341 = arith.shli %gather3A_318, %shift_left3A_340 : vector<16xi32>
        %bitcast3A_342 = vector.bitcast %shift_left3A_341 : vector<16xi32> to vector<16xf32>
        %and3A_343 = arith.constant -65536 : i32
        %and3A_344 = vector.broadcast %and3A_343 : i32 to vector<16xi32>
        %and3A_345 = arith.andi %gather3A_318, %and3A_344 : vector<16xi32>
        %bitcast3A_346 = vector.bitcast %and3A_345 : vector<16xi32> to vector<16xf32>
        %shift_left3A_347 = arith.constant 16 : i32
        %shift_left3A_348 = vector.broadcast %shift_left3A_347 : i32 to vector<16xi32>
        %shift_left3A_349 = arith.shli %gather3A_322, %shift_left3A_348 : vector<16xi32>
        %bitcast3A_350 = vector.bitcast %shift_left3A_349 : vector<16xi32> to vector<16xf32>
        %and3A_351 = arith.constant -65536 : i32
        %and3A_352 = vector.broadcast %and3A_351 : i32 to vector<16xi32>
        %and3A_353 = arith.andi %gather3A_322, %and3A_352 : vector<16xi32>
        %bitcast3A_354 = vector.bitcast %and3A_353 : vector<16xi32> to vector<16xf32>
        %sub3A_355 = arith.constant 1.000000e+00 : f32
        %sub3A_356 = vector.broadcast %sub3A_355 : f32 to vector<16xf32>
        %sub3A_357 = arith.subf %sub3A_356, %sub3A_300 : vector<16xf32>
        %sub3A_358 = arith.constant 1.000000e+00 : f32
        %sub3A_359 = vector.broadcast %sub3A_358 : f32 to vector<16xf32>
        %sub3A_360 = arith.subf %sub3A_359, %sub3A_302 : vector<16xf32>
        %mul3A_361 = arith.mulf %bitcast3A_326, %sub3A_357 : vector<16xf32>
        %mul3A_362 = arith.mulf %bitcast3A_334, %sub3A_300 : vector<16xf32>
        %add3A_363 = arith.addf %mul3A_361, %mul3A_362 : vector<16xf32>
        %mul3A_364 = arith.mulf %bitcast3A_342, %sub3A_357 : vector<16xf32>
        %mul3A_365 = arith.mulf %bitcast3A_350, %sub3A_300 : vector<16xf32>
        %add3A_366 = arith.addf %mul3A_364, %mul3A_365 : vector<16xf32>
        %mul3A_367 = arith.mulf %bitcast3A_330, %sub3A_357 : vector<16xf32>
        %mul3A_368 = arith.mulf %bitcast3A_338, %sub3A_300 : vector<16xf32>
        %add3A_369 = arith.addf %mul3A_367, %mul3A_368 : vector<16xf32>
        %mul3A_370 = arith.mulf %bitcast3A_346, %sub3A_357 : vector<16xf32>
        %mul3A_371 = arith.mulf %bitcast3A_354, %sub3A_300 : vector<16xf32>
        %add3A_372 = arith.addf %mul3A_370, %mul3A_371 : vector<16xf32>
        %mul3A_373 = arith.mulf %add3A_363, %sub3A_360 : vector<16xf32>
        %mul3A_374 = arith.mulf %add3A_366, %sub3A_302 : vector<16xf32>
        %add3A_375 = arith.addf %mul3A_373, %mul3A_374 : vector<16xf32>
        %mul3A_376 = arith.mulf %add3A_369, %sub3A_360 : vector<16xf32>
        %mul3A_377 = arith.mulf %add3A_372, %sub3A_302 : vector<16xf32>
        %add3A_378 = arith.addf %mul3A_376, %mul3A_377 : vector<16xf32>
        %bitcast3A_379 = vector.bitcast %add3A_375 : vector<16xf32> to vector<16xi32>
        %bitcast3A_380 = vector.bitcast %add3A_378 : vector<16xf32> to vector<16xi32>
        %add3A_381 = arith.constant 32768 : i32
        %add3A_382 = vector.broadcast %add3A_381 : i32 to vector<16xi32>
        %add3A_383 = arith.addi %bitcast3A_379, %add3A_382 : vector<16xi32>
        %shift_right_logical3A_384 = arith.constant 16 : i32
        %shift_right_logical3A_385 = vector.broadcast %shift_right_logical3A_384 : i32 to vector<16xi32>
        %shift_right_logical3A_386 = arith.shrui %add3A_383, %shift_right_logical3A_385 : vector<16xi32>
        %add3A_387 = arith.constant 32768 : i32
        %add3A_388 = vector.broadcast %add3A_387 : i32 to vector<16xi32>
        %add3A_389 = arith.addi %bitcast3A_380, %add3A_388 : vector<16xi32>
        %and3A_390 = arith.constant -65536 : i32
        %and3A_391 = vector.broadcast %and3A_390 : i32 to vector<16xi32>
        %and3A_392 = arith.andi %add3A_389, %and3A_391 : vector<16xi32>
        %or3A_393 = arith.ori %shift_right_logical3A_386, %and3A_392 : vector<16xi32>
        %add3A_394 = arith.constant 2 : i32
        %add3A_395 = vector.broadcast %add3A_394 : i32 to vector<16xi32>
        %add3A_396 = arith.addi %add3A_86, %add3A_395 : vector<16xi32>
        tpu.vector_store_idx %arg11[%add3A_396], %or3A_393 : memref<7168xi32, #tpu.memory_space<vmem>>[vector<16xi32>], vector<16xi32>,
        %mul3A_397 = arith.constant 1.270000e+02 : f32
        %mul3A_398 = vector.broadcast %mul3A_397 : f32 to vector<16xf32>
        %mul3A_399 = arith.mulf %min3A_72, %mul3A_398 : vector<16xf32>
        %mul3A_400 = arith.constant 1.270000e+02 : f32
        %mul3A_401 = vector.broadcast %mul3A_400 : f32 to vector<16xf32>
        %mul3A_402 = arith.mulf %min3A_82, %mul3A_401 : vector<16xf32>
        %convert_element_type3A_403 = arith.fptosi %mul3A_399 : vector<16xf32> to vector<16xi32>
        %convert_element_type3A_404 = arith.fptosi %mul3A_402 : vector<16xf32> to vector<16xi32>
        %convert_element_type3A_405 = arith.sitofp %convert_element_type3A_403 : vector<16xi32> to vector<16xf32>
        %sub3A_406 = arith.subf %mul3A_399, %convert_element_type3A_405 : vector<16xf32>
        %convert_element_type3A_407 = arith.sitofp %convert_element_type3A_404 : vector<16xi32> to vector<16xf32>
        %sub3A_408 = arith.subf %mul3A_402, %convert_element_type3A_407 : vector<16xf32>
        %mul3A_409 = arith.constant 128 : i32
        %mul3A_410 = vector.broadcast %mul3A_409 : i32 to vector<16xi32>
        %mul3A_411 = arith.muli %convert_element_type3A_404, %mul3A_410 : vector<16xi32>
        %add3A_412 = arith.addi %mul3A_411, %convert_element_type3A_403 : vector<16xi32>
        %add3A_413 = arith.constant 5376 : i32
        %add3A_414 = vector.broadcast %add3A_413 : i32 to vector<16xi32>
        %add3A_415 = arith.addi %add3A_412, %add3A_414 : vector<16xi32>
        %gather3A_416 = tpu.vector_load_idx %arg8[%add3A_415] : memref<87296xi32, #tpu.memory_space<vmem>>[vector<16xi32>], vector<16xi32>,
        %add3A_417 = arith.constant 5377 : i32
        %add3A_418 = vector.broadcast %add3A_417 : i32 to vector<16xi32>
        %add3A_419 = arith.addi %add3A_412, %add3A_418 : vector<16xi32>
        %gather3A_420 = tpu.vector_load_idx %arg8[%add3A_419] : memref<87296xi32, #tpu.memory_space<vmem>>[vector<16xi32>], vector<16xi32>,
        %add3A_421 = arith.constant 5504 : i32
        %add3A_422 = vector.broadcast %add3A_421 : i32 to vector<16xi32>
        %add3A_423 = arith.addi %add3A_412, %add3A_422 : vector<16xi32>
        %gather3A_424 = tpu.vector_load_idx %arg8[%add3A_423] : memref<87296xi32, #tpu.memory_space<vmem>>[vector<16xi32>], vector<16xi32>,
        %add3A_425 = arith.constant 5505 : i32
        %add3A_426 = vector.broadcast %add3A_425 : i32 to vector<16xi32>
        %add3A_427 = arith.addi %add3A_412, %add3A_426 : vector<16xi32>
        %gather3A_428 = tpu.vector_load_idx %arg8[%add3A_427] : memref<87296xi32, #tpu.memory_space<vmem>>[vector<16xi32>], vector<16xi32>,
        %shift_left3A_429 = arith.constant 16 : i32
        %shift_left3A_430 = vector.broadcast %shift_left3A_429 : i32 to vector<16xi32>
        %shift_left3A_431 = arith.shli %gather3A_416, %shift_left3A_430 : vector<16xi32>
        %bitcast3A_432 = vector.bitcast %shift_left3A_431 : vector<16xi32> to vector<16xf32>
        %and3A_433 = arith.constant -65536 : i32
        %and3A_434 = vector.broadcast %and3A_433 : i32 to vector<16xi32>
        %and3A_435 = arith.andi %gather3A_416, %and3A_434 : vector<16xi32>
        %bitcast3A_436 = vector.bitcast %and3A_435 : vector<16xi32> to vector<16xf32>
        %shift_left3A_437 = arith.constant 16 : i32
        %shift_left3A_438 = vector.broadcast %shift_left3A_437 : i32 to vector<16xi32>
        %shift_left3A_439 = arith.shli %gather3A_420, %shift_left3A_438 : vector<16xi32>
        %bitcast3A_440 = vector.bitcast %shift_left3A_439 : vector<16xi32> to vector<16xf32>
        %and3A_441 = arith.constant -65536 : i32
        %and3A_442 = vector.broadcast %and3A_441 : i32 to vector<16xi32>
        %and3A_443 = arith.andi %gather3A_420, %and3A_442 : vector<16xi32>
        %bitcast3A_444 = vector.bitcast %and3A_443 : vector<16xi32> to vector<16xf32>
        %shift_left3A_445 = arith.constant 16 : i32
        %shift_left3A_446 = vector.broadcast %shift_left3A_445 : i32 to vector<16xi32>
        %shift_left3A_447 = arith.shli %gather3A_424, %shift_left3A_446 : vector<16xi32>
        %bitcast3A_448 = vector.bitcast %shift_left3A_447 : vector<16xi32> to vector<16xf32>
        %and3A_449 = arith.constant -65536 : i32
        %and3A_450 = vector.broadcast %and3A_449 : i32 to vector<16xi32>
        %and3A_451 = arith.andi %gather3A_424, %and3A_450 : vector<16xi32>
        %bitcast3A_452 = vector.bitcast %and3A_451 : vector<16xi32> to vector<16xf32>
        %shift_left3A_453 = arith.constant 16 : i32
        %shift_left3A_454 = vector.broadcast %shift_left3A_453 : i32 to vector<16xi32>
        %shift_left3A_455 = arith.shli %gather3A_428, %shift_left3A_454 : vector<16xi32>
        %bitcast3A_456 = vector.bitcast %shift_left3A_455 : vector<16xi32> to vector<16xf32>
        %and3A_457 = arith.constant -65536 : i32
        %and3A_458 = vector.broadcast %and3A_457 : i32 to vector<16xi32>
        %and3A_459 = arith.andi %gather3A_428, %and3A_458 : vector<16xi32>
        %bitcast3A_460 = vector.bitcast %and3A_459 : vector<16xi32> to vector<16xf32>
        %sub3A_461 = arith.constant 1.000000e+00 : f32
        %sub3A_462 = vector.broadcast %sub3A_461 : f32 to vector<16xf32>
        %sub3A_463 = arith.subf %sub3A_462, %sub3A_406 : vector<16xf32>
        %sub3A_464 = arith.constant 1.000000e+00 : f32
        %sub3A_465 = vector.broadcast %sub3A_464 : f32 to vector<16xf32>
        %sub3A_466 = arith.subf %sub3A_465, %sub3A_408 : vector<16xf32>
        %mul3A_467 = arith.mulf %bitcast3A_432, %sub3A_463 : vector<16xf32>
        %mul3A_468 = arith.mulf %bitcast3A_440, %sub3A_406 : vector<16xf32>
        %add3A_469 = arith.addf %mul3A_467, %mul3A_468 : vector<16xf32>
        %mul3A_470 = arith.mulf %bitcast3A_448, %sub3A_463 : vector<16xf32>
        %mul3A_471 = arith.mulf %bitcast3A_456, %sub3A_406 : vector<16xf32>
        %add3A_472 = arith.addf %mul3A_470, %mul3A_471 : vector<16xf32>
        %mul3A_473 = arith.mulf %bitcast3A_436, %sub3A_463 : vector<16xf32>
        %mul3A_474 = arith.mulf %bitcast3A_444, %sub3A_406 : vector<16xf32>
        %add3A_475 = arith.addf %mul3A_473, %mul3A_474 : vector<16xf32>
        %mul3A_476 = arith.mulf %bitcast3A_452, %sub3A_463 : vector<16xf32>
        %mul3A_477 = arith.mulf %bitcast3A_460, %sub3A_406 : vector<16xf32>
        %add3A_478 = arith.addf %mul3A_476, %mul3A_477 : vector<16xf32>
        %mul3A_479 = arith.mulf %add3A_469, %sub3A_466 : vector<16xf32>
        %mul3A_480 = arith.mulf %add3A_472, %sub3A_408 : vector<16xf32>
        %add3A_481 = arith.addf %mul3A_479, %mul3A_480 : vector<16xf32>
        %mul3A_482 = arith.mulf %add3A_475, %sub3A_466 : vector<16xf32>
        %mul3A_483 = arith.mulf %add3A_478, %sub3A_408 : vector<16xf32>
        %add3A_484 = arith.addf %mul3A_482, %mul3A_483 : vector<16xf32>
        %bitcast3A_485 = vector.bitcast %add3A_481 : vector<16xf32> to vector<16xi32>
        %bitcast3A_486 = vector.bitcast %add3A_484 : vector<16xf32> to vector<16xi32>
        %add3A_487 = arith.constant 32768 : i32
        %add3A_488 = vector.broadcast %add3A_487 : i32 to vector<16xi32>
        %add3A_489 = arith.addi %bitcast3A_485, %add3A_488 : vector<16xi32>
        %shift_right_logical3A_490 = arith.constant 16 : i32
        %shift_right_logical3A_491 = vector.broadcast %shift_right_logical3A_490 : i32 to vector<16xi32>
        %shift_right_logical3A_492 = arith.shrui %add3A_489, %shift_right_logical3A_491 : vector<16xi32>
        %add3A_493 = arith.constant 32768 : i32
        %add3A_494 = vector.broadcast %add3A_493 : i32 to vector<16xi32>
        %add3A_495 = arith.addi %bitcast3A_486, %add3A_494 : vector<16xi32>
        %and3A_496 = arith.constant -65536 : i32
        %and3A_497 = vector.broadcast %and3A_496 : i32 to vector<16xi32>
        %and3A_498 = arith.andi %add3A_495, %and3A_497 : vector<16xi32>
        %or3A_499 = arith.ori %shift_right_logical3A_492, %and3A_498 : vector<16xi32>
        %add3A_500 = arith.constant 3 : i32
        %add3A_501 = vector.broadcast %add3A_500 : i32 to vector<16xi32>
        %add3A_502 = arith.addi %add3A_86, %add3A_501 : vector<16xi32>
        tpu.vector_store_idx %arg11[%add3A_502], %or3A_499 : memref<7168xi32, #tpu.memory_space<vmem>>[vector<16xi32>], vector<16xi32>,
        %mul3A_503 = arith.constant 2.550000e+02 : f32
        %mul3A_504 = vector.broadcast %mul3A_503 : f32 to vector<16xf32>
        %mul3A_505 = arith.mulf %min3A_72, %mul3A_504 : vector<16xf32>
        %mul3A_506 = arith.constant 2.550000e+02 : f32
        %mul3A_507 = vector.broadcast %mul3A_506 : f32 to vector<16xf32>
        %mul3A_508 = arith.mulf %min3A_82, %mul3A_507 : vector<16xf32>
        %convert_element_type3A_509 = arith.fptosi %mul3A_505 : vector<16xf32> to vector<16xi32>
        %convert_element_type3A_510 = arith.fptosi %mul3A_508 : vector<16xf32> to vector<16xi32>
        %convert_element_type3A_511 = arith.sitofp %convert_element_type3A_509 : vector<16xi32> to vector<16xf32>
        %sub3A_512 = arith.subf %mul3A_505, %convert_element_type3A_511 : vector<16xf32>
        %convert_element_type3A_513 = arith.sitofp %convert_element_type3A_510 : vector<16xi32> to vector<16xf32>
        %sub3A_514 = arith.subf %mul3A_508, %convert_element_type3A_513 : vector<16xf32>
        %mul3A_515 = arith.constant 256 : i32
        %mul3A_516 = vector.broadcast %mul3A_515 : i32 to vector<16xi32>
        %mul3A_517 = arith.muli %convert_element_type3A_510, %mul3A_516 : vector<16xi32>
        %add3A_518 = arith.addi %mul3A_517, %convert_element_type3A_509 : vector<16xi32>
        %add3A_519 = arith.constant 21760 : i32
        %add3A_520 = vector.broadcast %add3A_519 : i32 to vector<16xi32>
        %add3A_521 = arith.addi %add3A_518, %add3A_520 : vector<16xi32>
        %gather3A_522 = tpu.vector_load_idx %arg8[%add3A_521] : memref<87296xi32, #tpu.memory_space<vmem>>[vector<16xi32>], vector<16xi32>,
        %add3A_523 = arith.constant 21761 : i32
        %add3A_524 = vector.broadcast %add3A_523 : i32 to vector<16xi32>
        %add3A_525 = arith.addi %add3A_518, %add3A_524 : vector<16xi32>
        %gather3A_526 = tpu.vector_load_idx %arg8[%add3A_525] : memref<87296xi32, #tpu.memory_space<vmem>>[vector<16xi32>], vector<16xi32>,
        %add3A_527 = arith.constant 22016 : i32
        %add3A_528 = vector.broadcast %add3A_527 : i32 to vector<16xi32>
        %add3A_529 = arith.addi %add3A_518, %add3A_528 : vector<16xi32>
        %gather3A_530 = tpu.vector_load_idx %arg8[%add3A_529] : memref<87296xi32, #tpu.memory_space<vmem>>[vector<16xi32>], vector<16xi32>,
        %add3A_531 = arith.constant 22017 : i32
        %add3A_532 = vector.broadcast %add3A_531 : i32 to vector<16xi32>
        %add3A_533 = arith.addi %add3A_518, %add3A_532 : vector<16xi32>
        %gather3A_534 = tpu.vector_load_idx %arg8[%add3A_533] : memref<87296xi32, #tpu.memory_space<vmem>>[vector<16xi32>], vector<16xi32>,
        %shift_left3A_535 = arith.constant 16 : i32
        %shift_left3A_536 = vector.broadcast %shift_left3A_535 : i32 to vector<16xi32>
        %shift_left3A_537 = arith.shli %gather3A_522, %shift_left3A_536 : vector<16xi32>
        %bitcast3A_538 = vector.bitcast %shift_left3A_537 : vector<16xi32> to vector<16xf32>
        %and3A_539 = arith.constant -65536 : i32
        %and3A_540 = vector.broadcast %and3A_539 : i32 to vector<16xi32>
        %and3A_541 = arith.andi %gather3A_522, %and3A_540 : vector<16xi32>
        %bitcast3A_542 = vector.bitcast %and3A_541 : vector<16xi32> to vector<16xf32>
        %shift_left3A_543 = arith.constant 16 : i32
        %shift_left3A_544 = vector.broadcast %shift_left3A_543 : i32 to vector<16xi32>
        %shift_left3A_545 = arith.shli %gather3A_526, %shift_left3A_544 : vector<16xi32>
        %bitcast3A_546 = vector.bitcast %shift_left3A_545 : vector<16xi32> to vector<16xf32>
        %and3A_547 = arith.constant -65536 : i32
        %and3A_548 = vector.broadcast %and3A_547 : i32 to vector<16xi32>
        %and3A_549 = arith.andi %gather3A_526, %and3A_548 : vector<16xi32>
        %bitcast3A_550 = vector.bitcast %and3A_549 : vector<16xi32> to vector<16xf32>
        %shift_left3A_551 = arith.constant 16 : i32
        %shift_left3A_552 = vector.broadcast %shift_left3A_551 : i32 to vector<16xi32>
        %shift_left3A_553 = arith.shli %gather3A_530, %shift_left3A_552 : vector<16xi32>
        %bitcast3A_554 = vector.bitcast %shift_left3A_553 : vector<16xi32> to vector<16xf32>
        %and3A_555 = arith.constant -65536 : i32
        %and3A_556 = vector.broadcast %and3A_555 : i32 to vector<16xi32>
        %and3A_557 = arith.andi %gather3A_530, %and3A_556 : vector<16xi32>
        %bitcast3A_558 = vector.bitcast %and3A_557 : vector<16xi32> to vector<16xf32>
        %shift_left3A_559 = arith.constant 16 : i32
        %shift_left3A_560 = vector.broadcast %shift_left3A_559 : i32 to vector<16xi32>
        %shift_left3A_561 = arith.shli %gather3A_534, %shift_left3A_560 : vector<16xi32>
        %bitcast3A_562 = vector.bitcast %shift_left3A_561 : vector<16xi32> to vector<16xf32>
        %and3A_563 = arith.constant -65536 : i32
        %and3A_564 = vector.broadcast %and3A_563 : i32 to vector<16xi32>
        %and3A_565 = arith.andi %gather3A_534, %and3A_564 : vector<16xi32>
        %bitcast3A_566 = vector.bitcast %and3A_565 : vector<16xi32> to vector<16xf32>
        %sub3A_567 = arith.constant 1.000000e+00 : f32
        %sub3A_568 = vector.broadcast %sub3A_567 : f32 to vector<16xf32>
        %sub3A_569 = arith.subf %sub3A_568, %sub3A_512 : vector<16xf32>
        %sub3A_570 = arith.constant 1.000000e+00 : f32
        %sub3A_571 = vector.broadcast %sub3A_570 : f32 to vector<16xf32>
        %sub3A_572 = arith.subf %sub3A_571, %sub3A_514 : vector<16xf32>
        %mul3A_573 = arith.mulf %bitcast3A_538, %sub3A_569 : vector<16xf32>
        %mul3A_574 = arith.mulf %bitcast3A_546, %sub3A_512 : vector<16xf32>
        %add3A_575 = arith.addf %mul3A_573, %mul3A_574 : vector<16xf32>
        %mul3A_576 = arith.mulf %bitcast3A_554, %sub3A_569 : vector<16xf32>
        %mul3A_577 = arith.mulf %bitcast3A_562, %sub3A_512 : vector<16xf32>
        %add3A_578 = arith.addf %mul3A_576, %mul3A_577 : vector<16xf32>
        %mul3A_579 = arith.mulf %bitcast3A_542, %sub3A_569 : vector<16xf32>
        %mul3A_580 = arith.mulf %bitcast3A_550, %sub3A_512 : vector<16xf32>
        %add3A_581 = arith.addf %mul3A_579, %mul3A_580 : vector<16xf32>
        %mul3A_582 = arith.mulf %bitcast3A_558, %sub3A_569 : vector<16xf32>
        %mul3A_583 = arith.mulf %bitcast3A_566, %sub3A_512 : vector<16xf32>
        %add3A_584 = arith.addf %mul3A_582, %mul3A_583 : vector<16xf32>
        %mul3A_585 = arith.mulf %add3A_575, %sub3A_572 : vector<16xf32>
        %mul3A_586 = arith.mulf %add3A_578, %sub3A_514 : vector<16xf32>
        %add3A_587 = arith.addf %mul3A_585, %mul3A_586 : vector<16xf32>
        %mul3A_588 = arith.mulf %add3A_581, %sub3A_572 : vector<16xf32>
        %mul3A_589 = arith.mulf %add3A_584, %sub3A_514 : vector<16xf32>
        %add3A_590 = arith.addf %mul3A_588, %mul3A_589 : vector<16xf32>
        %bitcast3A_591 = vector.bitcast %add3A_587 : vector<16xf32> to vector<16xi32>
        %bitcast3A_592 = vector.bitcast %add3A_590 : vector<16xf32> to vector<16xi32>
        %add3A_593 = arith.constant 32768 : i32
        %add3A_594 = vector.broadcast %add3A_593 : i32 to vector<16xi32>
        %add3A_595 = arith.addi %bitcast3A_591, %add3A_594 : vector<16xi32>
        %shift_right_logical3A_596 = arith.constant 16 : i32
        %shift_right_logical3A_597 = vector.broadcast %shift_right_logical3A_596 : i32 to vector<16xi32>
        %shift_right_logical3A_598 = arith.shrui %add3A_595, %shift_right_logical3A_597 : vector<16xi32>
        %add3A_599 = arith.constant 32768 : i32
        %add3A_600 = vector.broadcast %add3A_599 : i32 to vector<16xi32>
        %add3A_601 = arith.addi %bitcast3A_592, %add3A_600 : vector<16xi32>
        %and3A_602 = arith.constant -65536 : i32
        %and3A_603 = vector.broadcast %and3A_602 : i32 to vector<16xi32>
        %and3A_604 = arith.andi %add3A_601, %and3A_603 : vector<16xi32>
        %or3A_605 = arith.ori %shift_right_logical3A_598, %and3A_604 : vector<16xi32>
        %add3A_606 = arith.constant 4 : i32
        %add3A_607 = vector.broadcast %add3A_606 : i32 to vector<16xi32>
        %add3A_608 = arith.addi %add3A_86, %add3A_607 : vector<16xi32>
        tpu.vector_store_idx %arg11[%add3A_608], %or3A_605 : memref<7168xi32, #tpu.memory_space<vmem>>[vector<16xi32>], vector<16xi32>,
        %mul3A_609 = arith.constant 5.110000e+02 : f32
        %mul3A_610 = vector.broadcast %mul3A_609 : f32 to vector<16xf32>
        %mul3A_611 = arith.mulf %min3A_72, %mul3A_610 : vector<16xf32>
        %mul3A_612 = arith.constant 5.110000e+02 : f32
        %mul3A_613 = vector.broadcast %mul3A_612 : f32 to vector<16xf32>
        %mul3A_614 = arith.mulf %min3A_82, %mul3A_613 : vector<16xf32>
        %convert_element_type3A_615 = arith.fptosi %mul3A_611 : vector<16xf32> to vector<16xi32>
        %convert_element_type3A_616 = arith.fptosi %mul3A_614 : vector<16xf32> to vector<16xi32>
        %convert_element_type3A_617 = arith.sitofp %convert_element_type3A_615 : vector<16xi32> to vector<16xf32>
        %sub3A_618 = arith.subf %mul3A_611, %convert_element_type3A_617 : vector<16xf32>
        %convert_element_type3A_619 = arith.sitofp %convert_element_type3A_616 : vector<16xi32> to vector<16xf32>
        %sub3A_620 = arith.subf %mul3A_614, %convert_element_type3A_619 : vector<16xf32>
        %mul3A_621 = arith.constant 512 : i32
        %mul3A_622 = vector.broadcast %mul3A_621 : i32 to vector<16xi32>
        %mul3A_623 = arith.muli %convert_element_type3A_616, %mul3A_622 : vector<16xi32>
        %add3A_624 = arith.addi %mul3A_623, %convert_element_type3A_615 : vector<16xi32>
        %mul3A_625 = arith.constant 16 : i32
        %mul3A_626 = arith.muli %scan3A_65, %mul3A_625 : i32
        %swap3A = arith.index_cast %mul3A_626 : i32 to index
        %swap3A_627 = tpu.vector_load %arg12[%swap3A] {strides = array<i32>} : memref<1024xi32, #tpu.memory_space<vmem>>, vector<16xi32>,
        tpu.vector_store %arg12[%swap3A], %add3A_624 {strides = array<i32>} : memref<1024xi32, #tpu.memory_space<vmem>>, vector<16xi32>,
        %add3A_628 = arith.constant 1 : i32
        %add3A_629 = vector.broadcast %add3A_628 : i32 to vector<16xi32>
        %add3A_630 = arith.addi %add3A_624, %add3A_629 : vector<16xi32>
        %mul3A_631 = arith.constant 16 : i32
        %mul3A_632 = arith.muli %scan3A_65, %mul3A_631 : i32
        %swap3A_633 = arith.index_cast %mul3A_632 : i32 to index
        %swap3A_634 = tpu.vector_load %arg13[%swap3A_633] {strides = array<i32>} : memref<1024xi32, #tpu.memory_space<vmem>>, vector<16xi32>,
        tpu.vector_store %arg13[%swap3A_633], %add3A_630 {strides = array<i32>} : memref<1024xi32, #tpu.memory_space<vmem>>, vector<16xi32>,
        %add3A_635 = arith.constant 512 : i32
        %add3A_636 = vector.broadcast %add3A_635 : i32 to vector<16xi32>
        %add3A_637 = arith.addi %add3A_624, %add3A_636 : vector<16xi32>
        %mul3A_638 = arith.constant 16 : i32
        %mul3A_639 = arith.muli %scan3A_65, %mul3A_638 : i32
        %swap3A_640 = arith.index_cast %mul3A_639 : i32 to index
        %swap3A_641 = tpu.vector_load %arg14[%swap3A_640] {strides = array<i32>} : memref<1024xi32, #tpu.memory_space<vmem>>, vector<16xi32>,
        tpu.vector_store %arg14[%swap3A_640], %add3A_637 {strides = array<i32>} : memref<1024xi32, #tpu.memory_space<vmem>>, vector<16xi32>,
        %add3A_642 = arith.constant 513 : i32
        %add3A_643 = vector.broadcast %add3A_642 : i32 to vector<16xi32>
        %add3A_644 = arith.addi %add3A_624, %add3A_643 : vector<16xi32>
        %mul3A_645 = arith.constant 16 : i32
        %mul3A_646 = arith.muli %scan3A_65, %mul3A_645 : i32
        %swap3A_647 = arith.index_cast %mul3A_646 : i32 to index
        %swap3A_648 = tpu.vector_load %arg15[%swap3A_647] {strides = array<i32>} : memref<1024xi32, #tpu.memory_space<vmem>>, vector<16xi32>,
        tpu.vector_store %arg15[%swap3A_647], %add3A_644 {strides = array<i32>} : memref<1024xi32, #tpu.memory_space<vmem>>, vector<16xi32>,
        %mul3A_649 = arith.constant 1.023000e+03 : f32
        %mul3A_650 = vector.broadcast %mul3A_649 : f32 to vector<16xf32>
        %mul3A_651 = arith.mulf %min3A_72, %mul3A_650 : vector<16xf32>
        %mul3A_652 = arith.constant 1.023000e+03 : f32
        %mul3A_653 = vector.broadcast %mul3A_652 : f32 to vector<16xf32>
        %mul3A_654 = arith.mulf %min3A_82, %mul3A_653 : vector<16xf32>
        %convert_element_type3A_655 = arith.fptosi %mul3A_651 : vector<16xf32> to vector<16xi32>
        %convert_element_type3A_656 = arith.fptosi %mul3A_654 : vector<16xf32> to vector<16xi32>
        %convert_element_type3A_657 = arith.sitofp %convert_element_type3A_655 : vector<16xi32> to vector<16xf32>
        %sub3A_658 = arith.subf %mul3A_651, %convert_element_type3A_657 : vector<16xf32>
        %convert_element_type3A_659 = arith.sitofp %convert_element_type3A_656 : vector<16xi32> to vector<16xf32>
        %sub3A_660 = arith.subf %mul3A_654, %convert_element_type3A_659 : vector<16xf32>
        %mul3A_661 = arith.constant 1024 : i32
        %mul3A_662 = vector.broadcast %mul3A_661 : i32 to vector<16xi32>
        %mul3A_663 = arith.muli %convert_element_type3A_656, %mul3A_662 : vector<16xi32>
        %add3A_664 = arith.addi %mul3A_663, %convert_element_type3A_655 : vector<16xi32>
        %mul3A_665 = arith.constant 16 : i32
        %mul3A_666 = arith.muli %scan3A_65, %mul3A_665 : i32
        %swap3A_667 = arith.index_cast %mul3A_666 : i32 to index
        %swap3A_668 = tpu.vector_load %arg16[%swap3A_667] {strides = array<i32>} : memref<1024xi32, #tpu.memory_space<vmem>>, vector<16xi32>,
        tpu.vector_store %arg16[%swap3A_667], %add3A_664 {strides = array<i32>} : memref<1024xi32, #tpu.memory_space<vmem>>, vector<16xi32>,
        %add3A_669 = arith.constant 1 : i32
        %add3A_670 = vector.broadcast %add3A_669 : i32 to vector<16xi32>
        %add3A_671 = arith.addi %add3A_664, %add3A_670 : vector<16xi32>
        %mul3A_672 = arith.constant 16 : i32
        %mul3A_673 = arith.muli %scan3A_65, %mul3A_672 : i32
        %swap3A_674 = arith.index_cast %mul3A_673 : i32 to index
        %swap3A_675 = tpu.vector_load %arg17[%swap3A_674] {strides = array<i32>} : memref<1024xi32, #tpu.memory_space<vmem>>, vector<16xi32>,
        tpu.vector_store %arg17[%swap3A_674], %add3A_671 {strides = array<i32>} : memref<1024xi32, #tpu.memory_space<vmem>>, vector<16xi32>,
        %add3A_676 = arith.constant 1024 : i32
        %add3A_677 = vector.broadcast %add3A_676 : i32 to vector<16xi32>
        %add3A_678 = arith.addi %add3A_664, %add3A_677 : vector<16xi32>
        %mul3A_679 = arith.constant 16 : i32
        %mul3A_680 = arith.muli %scan3A_65, %mul3A_679 : i32
        %swap3A_681 = arith.index_cast %mul3A_680 : i32 to index
        %swap3A_682 = tpu.vector_load %arg18[%swap3A_681] {strides = array<i32>} : memref<1024xi32, #tpu.memory_space<vmem>>, vector<16xi32>,
        tpu.vector_store %arg18[%swap3A_681], %add3A_678 {strides = array<i32>} : memref<1024xi32, #tpu.memory_space<vmem>>, vector<16xi32>,
        %add3A_683 = arith.constant 1025 : i32
        %add3A_684 = vector.broadcast %add3A_683 : i32 to vector<16xi32>
        %add3A_685 = arith.addi %add3A_664, %add3A_684 : vector<16xi32>
        %mul3A_686 = arith.constant 16 : i32
        %mul3A_687 = arith.muli %scan3A_65, %mul3A_686 : i32
        %swap3A_688 = arith.index_cast %mul3A_687 : i32 to index
        %swap3A_689 = tpu.vector_load %arg19[%swap3A_688] {strides = array<i32>} : memref<1024xi32, #tpu.memory_space<vmem>>, vector<16xi32>,
        tpu.vector_store %arg19[%swap3A_688], %add3A_685 {strides = array<i32>} : memref<1024xi32, #tpu.memory_space<vmem>>, vector<16xi32>,
      }
      %scan3A_20 = arith.constant 64 : i32
      %dma_start3A = arith.constant 0 : i32
      %dma_start3A_21 = tpu.memref_slice %arg5[%dma_start3A] : memref<262144xi32, #tpu.memory_space<hbm>> -> memref<262144xi32, #tpu.memory_space<hbm>>
      tpu.enqueue_indirect_dma source(%dma_start3A_21 : memref<262144xi32, #tpu.memory_space<hbm>>) target(%arg20 : memref<1024xi32, #tpu.memory_space<vmem>>) offsets(%arg12 : memref<1024xi32, #tpu.memory_space<vmem>>) semaphore(%arg24 : memref<!tpu.dma_semaphore, #tpu.memory_space<semaphore_mem>>)
      %dma_start3A_22 = arith.constant 0 : i32
      %dma_start3A_23 = tpu.memref_slice %arg5[%dma_start3A_22] : memref<262144xi32, #tpu.memory_space<hbm>> -> memref<262144xi32, #tpu.memory_space<hbm>>
      tpu.enqueue_indirect_dma source(%dma_start3A_23 : memref<262144xi32, #tpu.memory_space<hbm>>) target(%arg21 : memref<1024xi32, #tpu.memory_space<vmem>>) offsets(%arg13 : memref<1024xi32, #tpu.memory_space<vmem>>) semaphore(%arg24 : memref<!tpu.dma_semaphore, #tpu.memory_space<semaphore_mem>>)
      %dma_start3A_24 = arith.constant 0 : i32
      %dma_start3A_25 = tpu.memref_slice %arg5[%dma_start3A_24] : memref<262144xi32, #tpu.memory_space<hbm>> -> memref<262144xi32, #tpu.memory_space<hbm>>
      tpu.enqueue_indirect_dma source(%dma_start3A_25 : memref<262144xi32, #tpu.memory_space<hbm>>) target(%arg22 : memref<1024xi32, #tpu.memory_space<vmem>>) offsets(%arg14 : memref<1024xi32, #tpu.memory_space<vmem>>) semaphore(%arg24 : memref<!tpu.dma_semaphore, #tpu.memory_space<semaphore_mem>>)
      %dma_start3A_26 = arith.constant 0 : i32
      %dma_start3A_27 = tpu.memref_slice %arg5[%dma_start3A_26] : memref<262144xi32, #tpu.memory_space<hbm>> -> memref<262144xi32, #tpu.memory_space<hbm>>
      tpu.enqueue_indirect_dma source(%dma_start3A_27 : memref<262144xi32, #tpu.memory_space<hbm>>) target(%arg23 : memref<1024xi32, #tpu.memory_space<vmem>>) offsets(%arg15 : memref<1024xi32, #tpu.memory_space<vmem>>) semaphore(%arg24 : memref<!tpu.dma_semaphore, #tpu.memory_space<semaphore_mem>>)
      %dma_wait3A = arith.constant 0 : i32
      %dma_wait3A_28 = tpu.memref_slice %arg5[%dma_wait3A] : memref<262144xi32, #tpu.memory_space<hbm>> -> memref<262144xi32, #tpu.memory_space<hbm>>
      tpu.wait_indirect_dma semaphore(%arg24 : memref<!tpu.dma_semaphore, #tpu.memory_space<semaphore_mem>>) src(%dma_wait3A_28 : memref<262144xi32, #tpu.memory_space<hbm>>) dst(%arg20 : memref<1024xi32, #tpu.memory_space<vmem>>)
      %dma_wait3A_29 = arith.constant 0 : i32
      %dma_wait3A_30 = tpu.memref_slice %arg5[%dma_wait3A_29] : memref<262144xi32, #tpu.memory_space<hbm>> -> memref<262144xi32, #tpu.memory_space<hbm>>
      tpu.wait_indirect_dma semaphore(%arg24 : memref<!tpu.dma_semaphore, #tpu.memory_space<semaphore_mem>>) src(%dma_wait3A_30 : memref<262144xi32, #tpu.memory_space<hbm>>) dst(%arg21 : memref<1024xi32, #tpu.memory_space<vmem>>)
      %dma_wait3A_31 = arith.constant 0 : i32
      %dma_wait3A_32 = tpu.memref_slice %arg5[%dma_wait3A_31] : memref<262144xi32, #tpu.memory_space<hbm>> -> memref<262144xi32, #tpu.memory_space<hbm>>
      tpu.wait_indirect_dma semaphore(%arg24 : memref<!tpu.dma_semaphore, #tpu.memory_space<semaphore_mem>>) src(%dma_wait3A_32 : memref<262144xi32, #tpu.memory_space<hbm>>) dst(%arg22 : memref<1024xi32, #tpu.memory_space<vmem>>)
      %dma_wait3A_33 = arith.constant 0 : i32
      %dma_wait3A_34 = tpu.memref_slice %arg5[%dma_wait3A_33] : memref<262144xi32, #tpu.memory_space<hbm>> -> memref<262144xi32, #tpu.memory_space<hbm>>
      tpu.wait_indirect_dma semaphore(%arg24 : memref<!tpu.dma_semaphore, #tpu.memory_space<semaphore_mem>>) src(%dma_wait3A_34 : memref<262144xi32, #tpu.memory_space<hbm>>) dst(%arg23 : memref<1024xi32, #tpu.memory_space<vmem>>)
      %scan3A_35 = arith.constant 0 : i32
      %scan3A_36 = arith.constant 0 : i32
      %scan3A_37 = arith.constant 64 : i32
      %scan3A_38 = arith.addi %scan3A_36, %scan3A_37 : i32
      %scan3A_39 = arith.constant 1 : i32
      scf.for %scan3A_65 = %scan3A_36 to %scan3A_38 step %scan3A_39  : i32 {
        %mul3A_66 = arith.constant 16 : i32
        %mul3A_67 = arith.muli %scan3A_65, %mul3A_66 : i32
        %get3A = arith.index_cast %mul3A_67 : i32 to index
        %get3A_68 = tpu.vector_load %arg9[%get3A] {strides = array<i32>} : memref<1024xf32, #tpu.memory_space<vmem>>, vector<16xf32>,
        %max3A = arith.constant 0.000000e+00 : f32
        %max3A_69 = vector.broadcast %max3A : f32 to vector<16xf32>
        %max3A_70 = arith.maximumf %get3A_68, %max3A_69 : vector<16xf32>
        %min3A = arith.constant 0.999998986 : f32
        %min3A_71 = vector.broadcast %min3A : f32 to vector<16xf32>
        %min3A_72 = arith.minimumf %max3A_70, %min3A_71 : vector<16xf32>
        %mul3A_73 = arith.constant 16 : i32
        %mul3A_74 = arith.muli %scan3A_65, %mul3A_73 : i32
        %get3A_75 = arith.index_cast %mul3A_74 : i32 to index
        %get3A_76 = tpu.vector_load %arg10[%get3A_75] {strides = array<i32>} : memref<1024xf32, #tpu.memory_space<vmem>>, vector<16xf32>,
        %max3A_77 = arith.constant 0.000000e+00 : f32
        %max3A_78 = vector.broadcast %max3A_77 : f32 to vector<16xf32>
        %max3A_79 = arith.maximumf %get3A_76, %max3A_78 : vector<16xf32>
        %min3A_80 = arith.constant 0.999998986 : f32
        %min3A_81 = vector.broadcast %min3A_80 : f32 to vector<16xf32>
        %min3A_82 = arith.minimumf %max3A_79, %min3A_81 : vector<16xf32>
        %mul3A_83 = arith.constant 5.110000e+02 : f32
        %mul3A_84 = vector.broadcast %mul3A_83 : f32 to vector<16xf32>
        %mul3A_85 = arith.mulf %min3A_72, %mul3A_84 : vector<16xf32>
        %mul3A_86 = arith.constant 5.110000e+02 : f32
        %mul3A_87 = vector.broadcast %mul3A_86 : f32 to vector<16xf32>
        %mul3A_88 = arith.mulf %min3A_82, %mul3A_87 : vector<16xf32>
        %convert_element_type3A = arith.fptosi %mul3A_85 : vector<16xf32> to vector<16xi32>
        %convert_element_type3A_89 = arith.fptosi %mul3A_88 : vector<16xf32> to vector<16xi32>
        %convert_element_type3A_90 = arith.sitofp %convert_element_type3A : vector<16xi32> to vector<16xf32>
        %sub3A = arith.subf %mul3A_85, %convert_element_type3A_90 : vector<16xf32>
        %convert_element_type3A_91 = arith.sitofp %convert_element_type3A_89 : vector<16xi32> to vector<16xf32>
        %sub3A_92 = arith.subf %mul3A_88, %convert_element_type3A_91 : vector<16xf32>
        %mul3A_93 = arith.constant 512 : i32
        %mul3A_94 = vector.broadcast %mul3A_93 : i32 to vector<16xi32>
        %mul3A_95 = arith.muli %convert_element_type3A_89, %mul3A_94 : vector<16xi32>
        %add3A_96 = arith.addi %mul3A_95, %convert_element_type3A : vector<16xi32>
        %mul3A_97 = arith.constant 16 : i32
        %mul3A_98 = arith.muli %scan3A_65, %mul3A_97 : i32
        %get3A_99 = arith.index_cast %mul3A_98 : i32 to index
        %get3A_100 = tpu.vector_load %arg20[%get3A_99] {strides = array<i32>} : memref<1024xi32, #tpu.memory_space<vmem>>, vector<16xi32>,
        %mul3A_101 = arith.constant 16 : i32
        %mul3A_102 = arith.muli %scan3A_65, %mul3A_101 : i32
        %get3A_103 = arith.index_cast %mul3A_102 : i32 to index
        %get3A_104 = tpu.vector_load %arg21[%get3A_103] {strides = array<i32>} : memref<1024xi32, #tpu.memory_space<vmem>>, vector<16xi32>,
        %mul3A_105 = arith.constant 16 : i32
        %mul3A_106 = arith.muli %scan3A_65, %mul3A_105 : i32
        %get3A_107 = arith.index_cast %mul3A_106 : i32 to index
        %get3A_108 = tpu.vector_load %arg22[%get3A_107] {strides = array<i32>} : memref<1024xi32, #tpu.memory_space<vmem>>, vector<16xi32>,
        %mul3A_109 = arith.constant 16 : i32
        %mul3A_110 = arith.muli %scan3A_65, %mul3A_109 : i32
        %get3A_111 = arith.index_cast %mul3A_110 : i32 to index
        %get3A_112 = tpu.vector_load %arg23[%get3A_111] {strides = array<i32>} : memref<1024xi32, #tpu.memory_space<vmem>>, vector<16xi32>,
        %shift_left3A = arith.constant 16 : i32
        %shift_left3A_113 = vector.broadcast %shift_left3A : i32 to vector<16xi32>
        %shift_left3A_114 = arith.shli %get3A_100, %shift_left3A_113 : vector<16xi32>
        %bitcast3A = vector.bitcast %shift_left3A_114 : vector<16xi32> to vector<16xf32>
        %and3A = arith.constant -65536 : i32
        %and3A_115 = vector.broadcast %and3A : i32 to vector<16xi32>
        %and3A_116 = arith.andi %get3A_100, %and3A_115 : vector<16xi32>
        %bitcast3A_117 = vector.bitcast %and3A_116 : vector<16xi32> to vector<16xf32>
        %shift_left3A_118 = arith.constant 16 : i32
        %shift_left3A_119 = vector.broadcast %shift_left3A_118 : i32 to vector<16xi32>
        %shift_left3A_120 = arith.shli %get3A_104, %shift_left3A_119 : vector<16xi32>
        %bitcast3A_121 = vector.bitcast %shift_left3A_120 : vector<16xi32> to vector<16xf32>
        %and3A_122 = arith.constant -65536 : i32
        %and3A_123 = vector.broadcast %and3A_122 : i32 to vector<16xi32>
        %and3A_124 = arith.andi %get3A_104, %and3A_123 : vector<16xi32>
        %bitcast3A_125 = vector.bitcast %and3A_124 : vector<16xi32> to vector<16xf32>
        %shift_left3A_126 = arith.constant 16 : i32
        %shift_left3A_127 = vector.broadcast %shift_left3A_126 : i32 to vector<16xi32>
        %shift_left3A_128 = arith.shli %get3A_108, %shift_left3A_127 : vector<16xi32>
        %bitcast3A_129 = vector.bitcast %shift_left3A_128 : vector<16xi32> to vector<16xf32>
        %and3A_130 = arith.constant -65536 : i32
        %and3A_131 = vector.broadcast %and3A_130 : i32 to vector<16xi32>
        %and3A_132 = arith.andi %get3A_108, %and3A_131 : vector<16xi32>
        %bitcast3A_133 = vector.bitcast %and3A_132 : vector<16xi32> to vector<16xf32>
        %shift_left3A_134 = arith.constant 16 : i32
        %shift_left3A_135 = vector.broadcast %shift_left3A_134 : i32 to vector<16xi32>
        %shift_left3A_136 = arith.shli %get3A_112, %shift_left3A_135 : vector<16xi32>
        %bitcast3A_137 = vector.bitcast %shift_left3A_136 : vector<16xi32> to vector<16xf32>
        %and3A_138 = arith.constant -65536 : i32
        %and3A_139 = vector.broadcast %and3A_138 : i32 to vector<16xi32>
        %and3A_140 = arith.andi %get3A_112, %and3A_139 : vector<16xi32>
        %bitcast3A_141 = vector.bitcast %and3A_140 : vector<16xi32> to vector<16xf32>
        %sub3A_142 = arith.constant 1.000000e+00 : f32
        %sub3A_143 = vector.broadcast %sub3A_142 : f32 to vector<16xf32>
        %sub3A_144 = arith.subf %sub3A_143, %sub3A : vector<16xf32>
        %sub3A_145 = arith.constant 1.000000e+00 : f32
        %sub3A_146 = vector.broadcast %sub3A_145 : f32 to vector<16xf32>
        %sub3A_147 = arith.subf %sub3A_146, %sub3A_92 : vector<16xf32>
        %mul3A_148 = arith.mulf %bitcast3A, %sub3A_144 : vector<16xf32>
        %mul3A_149 = arith.mulf %bitcast3A_121, %sub3A : vector<16xf32>
        %add3A_150 = arith.addf %mul3A_148, %mul3A_149 : vector<16xf32>
        %mul3A_151 = arith.mulf %bitcast3A_129, %sub3A_144 : vector<16xf32>
        %mul3A_152 = arith.mulf %bitcast3A_137, %sub3A : vector<16xf32>
        %add3A_153 = arith.addf %mul3A_151, %mul3A_152 : vector<16xf32>
        %mul3A_154 = arith.mulf %bitcast3A_117, %sub3A_144 : vector<16xf32>
        %mul3A_155 = arith.mulf %bitcast3A_125, %sub3A : vector<16xf32>
        %add3A_156 = arith.addf %mul3A_154, %mul3A_155 : vector<16xf32>
        %mul3A_157 = arith.mulf %bitcast3A_133, %sub3A_144 : vector<16xf32>
        %mul3A_158 = arith.mulf %bitcast3A_141, %sub3A : vector<16xf32>
        %add3A_159 = arith.addf %mul3A_157, %mul3A_158 : vector<16xf32>
        %mul3A_160 = arith.mulf %add3A_150, %sub3A_147 : vector<16xf32>
        %mul3A_161 = arith.mulf %add3A_153, %sub3A_92 : vector<16xf32>
        %add3A_162 = arith.addf %mul3A_160, %mul3A_161 : vector<16xf32>
        %mul3A_163 = arith.mulf %add3A_156, %sub3A_147 : vector<16xf32>
        %mul3A_164 = arith.mulf %add3A_159, %sub3A_92 : vector<16xf32>
        %add3A_165 = arith.addf %mul3A_163, %mul3A_164 : vector<16xf32>
        %bitcast3A_166 = vector.bitcast %add3A_162 : vector<16xf32> to vector<16xi32>
        %bitcast3A_167 = vector.bitcast %add3A_165 : vector<16xf32> to vector<16xi32>
        %add3A_168 = arith.constant 32768 : i32
        %add3A_169 = vector.broadcast %add3A_168 : i32 to vector<16xi32>
        %add3A_170 = arith.addi %bitcast3A_166, %add3A_169 : vector<16xi32>
        %shift_right_logical3A = arith.constant 16 : i32
        %shift_right_logical3A_171 = vector.broadcast %shift_right_logical3A : i32 to vector<16xi32>
        %shift_right_logical3A_172 = arith.shrui %add3A_170, %shift_right_logical3A_171 : vector<16xi32>
        %add3A_173 = arith.constant 32768 : i32
        %add3A_174 = vector.broadcast %add3A_173 : i32 to vector<16xi32>
        %add3A_175 = arith.addi %bitcast3A_167, %add3A_174 : vector<16xi32>
        %and3A_176 = arith.constant -65536 : i32
        %and3A_177 = vector.broadcast %and3A_176 : i32 to vector<16xi32>
        %and3A_178 = arith.andi %add3A_175, %and3A_177 : vector<16xi32>
        %or3A = arith.ori %shift_right_logical3A_172, %and3A_178 : vector<16xi32>
        %mul3A_179 = arith.constant 112 : i32
        %mul3A_180 = arith.muli %scan3A_65, %mul3A_179 : i32
        %add3A_181 = arith.constant 5 : i32
        %add3A_182 = arith.addi %mul3A_180, %add3A_181 : i32
        %add3A_183 = vector.broadcast %add3A_182 : i32 to vector<16xi32>
        %add3A_184 = arith.addi %mul3A_3, %add3A_183 : vector<16xi32>
        tpu.vector_store_idx %arg11[%add3A_184], %or3A : memref<7168xi32, #tpu.memory_space<vmem>>[vector<16xi32>], vector<16xi32>,
      }
      %scan3A_40 = arith.constant 64 : i32
      %dma_start3A_41 = arith.constant 0 : i32
      %dma_start3A_42 = tpu.memref_slice %arg6[%dma_start3A_41] : memref<1048576xi32, #tpu.memory_space<hbm>> -> memref<1048576xi32, #tpu.memory_space<hbm>>
      tpu.enqueue_indirect_dma source(%dma_start3A_42 : memref<1048576xi32, #tpu.memory_space<hbm>>) target(%arg20 : memref<1024xi32, #tpu.memory_space<vmem>>) offsets(%arg16 : memref<1024xi32, #tpu.memory_space<vmem>>) semaphore(%arg24 : memref<!tpu.dma_semaphore, #tpu.memory_space<semaphore_mem>>)
      %dma_start3A_43 = arith.constant 0 : i32
      %dma_start3A_44 = tpu.memref_slice %arg6[%dma_start3A_43] : memref<1048576xi32, #tpu.memory_space<hbm>> -> memref<1048576xi32, #tpu.memory_space<hbm>>
      tpu.enqueue_indirect_dma source(%dma_start3A_44 : memref<1048576xi32, #tpu.memory_space<hbm>>) target(%arg21 : memref<1024xi32, #tpu.memory_space<vmem>>) offsets(%arg17 : memref<1024xi32, #tpu.memory_space<vmem>>) semaphore(%arg24 : memref<!tpu.dma_semaphore, #tpu.memory_space<semaphore_mem>>)
      %dma_start3A_45 = arith.constant 0 : i32
      %dma_start3A_46 = tpu.memref_slice %arg6[%dma_start3A_45] : memref<1048576xi32, #tpu.memory_space<hbm>> -> memref<1048576xi32, #tpu.memory_space<hbm>>
      tpu.enqueue_indirect_dma source(%dma_start3A_46 : memref<1048576xi32, #tpu.memory_space<hbm>>) target(%arg22 : memref<1024xi32, #tpu.memory_space<vmem>>) offsets(%arg18 : memref<1024xi32, #tpu.memory_space<vmem>>) semaphore(%arg24 : memref<!tpu.dma_semaphore, #tpu.memory_space<semaphore_mem>>)
      %dma_start3A_47 = arith.constant 0 : i32
      %dma_start3A_48 = tpu.memref_slice %arg6[%dma_start3A_47] : memref<1048576xi32, #tpu.memory_space<hbm>> -> memref<1048576xi32, #tpu.memory_space<hbm>>
      tpu.enqueue_indirect_dma source(%dma_start3A_48 : memref<1048576xi32, #tpu.memory_space<hbm>>) target(%arg23 : memref<1024xi32, #tpu.memory_space<vmem>>) offsets(%arg19 : memref<1024xi32, #tpu.memory_space<vmem>>) semaphore(%arg24 : memref<!tpu.dma_semaphore, #tpu.memory_space<semaphore_mem>>)
      %dma_wait3A_49 = arith.constant 0 : i32
      %dma_wait3A_50 = tpu.memref_slice %arg6[%dma_wait3A_49] : memref<1048576xi32, #tpu.memory_space<hbm>> -> memref<1048576xi32, #tpu.memory_space<hbm>>
      tpu.wait_indirect_dma semaphore(%arg24 : memref<!tpu.dma_semaphore, #tpu.memory_space<semaphore_mem>>) src(%dma_wait3A_50 : memref<1048576xi32, #tpu.memory_space<hbm>>) dst(%arg20 : memref<1024xi32, #tpu.memory_space<vmem>>)
      %dma_wait3A_51 = arith.constant 0 : i32
      %dma_wait3A_52 = tpu.memref_slice %arg6[%dma_wait3A_51] : memref<1048576xi32, #tpu.memory_space<hbm>> -> memref<1048576xi32, #tpu.memory_space<hbm>>
      tpu.wait_indirect_dma semaphore(%arg24 : memref<!tpu.dma_semaphore, #tpu.memory_space<semaphore_mem>>) src(%dma_wait3A_52 : memref<1048576xi32, #tpu.memory_space<hbm>>) dst(%arg21 : memref<1024xi32, #tpu.memory_space<vmem>>)
      %dma_wait3A_53 = arith.constant 0 : i32
      %dma_wait3A_54 = tpu.memref_slice %arg6[%dma_wait3A_53] : memref<1048576xi32, #tpu.memory_space<hbm>> -> memref<1048576xi32, #tpu.memory_space<hbm>>
      tpu.wait_indirect_dma semaphore(%arg24 : memref<!tpu.dma_semaphore, #tpu.memory_space<semaphore_mem>>) src(%dma_wait3A_54 : memref<1048576xi32, #tpu.memory_space<hbm>>) dst(%arg22 : memref<1024xi32, #tpu.memory_space<vmem>>)
      %dma_wait3A_55 = arith.constant 0 : i32
      %dma_wait3A_56 = tpu.memref_slice %arg6[%dma_wait3A_55] : memref<1048576xi32, #tpu.memory_space<hbm>> -> memref<1048576xi32, #tpu.memory_space<hbm>>
      tpu.wait_indirect_dma semaphore(%arg24 : memref<!tpu.dma_semaphore, #tpu.memory_space<semaphore_mem>>) src(%dma_wait3A_56 : memref<1048576xi32, #tpu.memory_space<hbm>>) dst(%arg23 : memref<1024xi32, #tpu.memory_space<vmem>>)
      %scan3A_57 = arith.constant 0 : i32
      %scan3A_58 = arith.constant 0 : i32
      %scan3A_59 = arith.constant 64 : i32
      %scan3A_60 = arith.addi %scan3A_58, %scan3A_59 : i32
      %scan3A_61 = arith.constant 1 : i32
      scf.for %scan3A_65 = %scan3A_58 to %scan3A_60 step %scan3A_61  : i32 {
        %mul3A_66 = arith.constant 16 : i32
        %mul3A_67 = arith.muli %scan3A_65, %mul3A_66 : i32
        %get3A = arith.index_cast %mul3A_67 : i32 to index
        %get3A_68 = tpu.vector_load %arg9[%get3A] {strides = array<i32>} : memref<1024xf32, #tpu.memory_space<vmem>>, vector<16xf32>,
        %max3A = arith.constant 0.000000e+00 : f32
        %max3A_69 = vector.broadcast %max3A : f32 to vector<16xf32>
        %max3A_70 = arith.maximumf %get3A_68, %max3A_69 : vector<16xf32>
        %min3A = arith.constant 0.999998986 : f32
        %min3A_71 = vector.broadcast %min3A : f32 to vector<16xf32>
        %min3A_72 = arith.minimumf %max3A_70, %min3A_71 : vector<16xf32>
        %mul3A_73 = arith.constant 16 : i32
        %mul3A_74 = arith.muli %scan3A_65, %mul3A_73 : i32
        %get3A_75 = arith.index_cast %mul3A_74 : i32 to index
        %get3A_76 = tpu.vector_load %arg10[%get3A_75] {strides = array<i32>} : memref<1024xf32, #tpu.memory_space<vmem>>, vector<16xf32>,
        %max3A_77 = arith.constant 0.000000e+00 : f32
        %max3A_78 = vector.broadcast %max3A_77 : f32 to vector<16xf32>
        %max3A_79 = arith.maximumf %get3A_76, %max3A_78 : vector<16xf32>
        %min3A_80 = arith.constant 0.999998986 : f32
        %min3A_81 = vector.broadcast %min3A_80 : f32 to vector<16xf32>
        %min3A_82 = arith.minimumf %max3A_79, %min3A_81 : vector<16xf32>
        %mul3A_83 = arith.constant 1.023000e+03 : f32
        %mul3A_84 = vector.broadcast %mul3A_83 : f32 to vector<16xf32>
        %mul3A_85 = arith.mulf %min3A_72, %mul3A_84 : vector<16xf32>
        %mul3A_86 = arith.constant 1.023000e+03 : f32
        %mul3A_87 = vector.broadcast %mul3A_86 : f32 to vector<16xf32>
        %mul3A_88 = arith.mulf %min3A_82, %mul3A_87 : vector<16xf32>
        %convert_element_type3A = arith.fptosi %mul3A_85 : vector<16xf32> to vector<16xi32>
        %convert_element_type3A_89 = arith.fptosi %mul3A_88 : vector<16xf32> to vector<16xi32>
        %convert_element_type3A_90 = arith.sitofp %convert_element_type3A : vector<16xi32> to vector<16xf32>
        %sub3A = arith.subf %mul3A_85, %convert_element_type3A_90 : vector<16xf32>
        %convert_element_type3A_91 = arith.sitofp %convert_element_type3A_89 : vector<16xi32> to vector<16xf32>
        %sub3A_92 = arith.subf %mul3A_88, %convert_element_type3A_91 : vector<16xf32>
        %mul3A_93 = arith.constant 1024 : i32
        %mul3A_94 = vector.broadcast %mul3A_93 : i32 to vector<16xi32>
        %mul3A_95 = arith.muli %convert_element_type3A_89, %mul3A_94 : vector<16xi32>
        %add3A_96 = arith.addi %mul3A_95, %convert_element_type3A : vector<16xi32>
        %mul3A_97 = arith.constant 16 : i32
        %mul3A_98 = arith.muli %scan3A_65, %mul3A_97 : i32
        %get3A_99 = arith.index_cast %mul3A_98 : i32 to index
        %get3A_100 = tpu.vector_load %arg20[%get3A_99] {strides = array<i32>} : memref<1024xi32, #tpu.memory_space<vmem>>, vector<16xi32>,
        %mul3A_101 = arith.constant 16 : i32
        %mul3A_102 = arith.muli %scan3A_65, %mul3A_101 : i32
        %get3A_103 = arith.index_cast %mul3A_102 : i32 to index
        %get3A_104 = tpu.vector_load %arg21[%get3A_103] {strides = array<i32>} : memref<1024xi32, #tpu.memory_space<vmem>>, vector<16xi32>,
        %mul3A_105 = arith.constant 16 : i32
        %mul3A_106 = arith.muli %scan3A_65, %mul3A_105 : i32
        %get3A_107 = arith.index_cast %mul3A_106 : i32 to index
        %get3A_108 = tpu.vector_load %arg22[%get3A_107] {strides = array<i32>} : memref<1024xi32, #tpu.memory_space<vmem>>, vector<16xi32>,
        %mul3A_109 = arith.constant 16 : i32
        %mul3A_110 = arith.muli %scan3A_65, %mul3A_109 : i32
        %get3A_111 = arith.index_cast %mul3A_110 : i32 to index
        %get3A_112 = tpu.vector_load %arg23[%get3A_111] {strides = array<i32>} : memref<1024xi32, #tpu.memory_space<vmem>>, vector<16xi32>,
        %shift_left3A = arith.constant 16 : i32
        %shift_left3A_113 = vector.broadcast %shift_left3A : i32 to vector<16xi32>
        %shift_left3A_114 = arith.shli %get3A_100, %shift_left3A_113 : vector<16xi32>
        %bitcast3A = vector.bitcast %shift_left3A_114 : vector<16xi32> to vector<16xf32>
        %and3A = arith.constant -65536 : i32
        %and3A_115 = vector.broadcast %and3A : i32 to vector<16xi32>
        %and3A_116 = arith.andi %get3A_100, %and3A_115 : vector<16xi32>
        %bitcast3A_117 = vector.bitcast %and3A_116 : vector<16xi32> to vector<16xf32>
        %shift_left3A_118 = arith.constant 16 : i32
        %shift_left3A_119 = vector.broadcast %shift_left3A_118 : i32 to vector<16xi32>
        %shift_left3A_120 = arith.shli %get3A_104, %shift_left3A_119 : vector<16xi32>
        %bitcast3A_121 = vector.bitcast %shift_left3A_120 : vector<16xi32> to vector<16xf32>
        %and3A_122 = arith.constant -65536 : i32
        %and3A_123 = vector.broadcast %and3A_122 : i32 to vector<16xi32>
        %and3A_124 = arith.andi %get3A_104, %and3A_123 : vector<16xi32>
        %bitcast3A_125 = vector.bitcast %and3A_124 : vector<16xi32> to vector<16xf32>
        %shift_left3A_126 = arith.constant 16 : i32
        %shift_left3A_127 = vector.broadcast %shift_left3A_126 : i32 to vector<16xi32>
        %shift_left3A_128 = arith.shli %get3A_108, %shift_left3A_127 : vector<16xi32>
        %bitcast3A_129 = vector.bitcast %shift_left3A_128 : vector<16xi32> to vector<16xf32>
        %and3A_130 = arith.constant -65536 : i32
        %and3A_131 = vector.broadcast %and3A_130 : i32 to vector<16xi32>
        %and3A_132 = arith.andi %get3A_108, %and3A_131 : vector<16xi32>
        %bitcast3A_133 = vector.bitcast %and3A_132 : vector<16xi32> to vector<16xf32>
        %shift_left3A_134 = arith.constant 16 : i32
        %shift_left3A_135 = vector.broadcast %shift_left3A_134 : i32 to vector<16xi32>
        %shift_left3A_136 = arith.shli %get3A_112, %shift_left3A_135 : vector<16xi32>
        %bitcast3A_137 = vector.bitcast %shift_left3A_136 : vector<16xi32> to vector<16xf32>
        %and3A_138 = arith.constant -65536 : i32
        %and3A_139 = vector.broadcast %and3A_138 : i32 to vector<16xi32>
        %and3A_140 = arith.andi %get3A_112, %and3A_139 : vector<16xi32>
        %bitcast3A_141 = vector.bitcast %and3A_140 : vector<16xi32> to vector<16xf32>
        %sub3A_142 = arith.constant 1.000000e+00 : f32
        %sub3A_143 = vector.broadcast %sub3A_142 : f32 to vector<16xf32>
        %sub3A_144 = arith.subf %sub3A_143, %sub3A : vector<16xf32>
        %sub3A_145 = arith.constant 1.000000e+00 : f32
        %sub3A_146 = vector.broadcast %sub3A_145 : f32 to vector<16xf32>
        %sub3A_147 = arith.subf %sub3A_146, %sub3A_92 : vector<16xf32>
        %mul3A_148 = arith.mulf %bitcast3A, %sub3A_144 : vector<16xf32>
        %mul3A_149 = arith.mulf %bitcast3A_121, %sub3A : vector<16xf32>
        %add3A_150 = arith.addf %mul3A_148, %mul3A_149 : vector<16xf32>
        %mul3A_151 = arith.mulf %bitcast3A_129, %sub3A_144 : vector<16xf32>
        %mul3A_152 = arith.mulf %bitcast3A_137, %sub3A : vector<16xf32>
        %add3A_153 = arith.addf %mul3A_151, %mul3A_152 : vector<16xf32>
        %mul3A_154 = arith.mulf %bitcast3A_117, %sub3A_144 : vector<16xf32>
        %mul3A_155 = arith.mulf %bitcast3A_125, %sub3A : vector<16xf32>
        %add3A_156 = arith.addf %mul3A_154, %mul3A_155 : vector<16xf32>
        %mul3A_157 = arith.mulf %bitcast3A_133, %sub3A_144 : vector<16xf32>
        %mul3A_158 = arith.mulf %bitcast3A_141, %sub3A : vector<16xf32>
        %add3A_159 = arith.addf %mul3A_157, %mul3A_158 : vector<16xf32>
        %mul3A_160 = arith.mulf %add3A_150, %sub3A_147 : vector<16xf32>
        %mul3A_161 = arith.mulf %add3A_153, %sub3A_92 : vector<16xf32>
        %add3A_162 = arith.addf %mul3A_160, %mul3A_161 : vector<16xf32>
        %mul3A_163 = arith.mulf %add3A_156, %sub3A_147 : vector<16xf32>
        %mul3A_164 = arith.mulf %add3A_159, %sub3A_92 : vector<16xf32>
        %add3A_165 = arith.addf %mul3A_163, %mul3A_164 : vector<16xf32>
        %bitcast3A_166 = vector.bitcast %add3A_162 : vector<16xf32> to vector<16xi32>
        %bitcast3A_167 = vector.bitcast %add3A_165 : vector<16xf32> to vector<16xi32>
        %add3A_168 = arith.constant 32768 : i32
        %add3A_169 = vector.broadcast %add3A_168 : i32 to vector<16xi32>
        %add3A_170 = arith.addi %bitcast3A_166, %add3A_169 : vector<16xi32>
        %shift_right_logical3A = arith.constant 16 : i32
        %shift_right_logical3A_171 = vector.broadcast %shift_right_logical3A : i32 to vector<16xi32>
        %shift_right_logical3A_172 = arith.shrui %add3A_170, %shift_right_logical3A_171 : vector<16xi32>
        %add3A_173 = arith.constant 32768 : i32
        %add3A_174 = vector.broadcast %add3A_173 : i32 to vector<16xi32>
        %add3A_175 = arith.addi %bitcast3A_167, %add3A_174 : vector<16xi32>
        %and3A_176 = arith.constant -65536 : i32
        %and3A_177 = vector.broadcast %and3A_176 : i32 to vector<16xi32>
        %and3A_178 = arith.andi %add3A_175, %and3A_177 : vector<16xi32>
        %or3A = arith.ori %shift_right_logical3A_172, %and3A_178 : vector<16xi32>
        %mul3A_179 = arith.constant 112 : i32
        %mul3A_180 = arith.muli %scan3A_65, %mul3A_179 : i32
        %add3A_181 = arith.constant 6 : i32
        %add3A_182 = arith.addi %mul3A_180, %add3A_181 : i32
        %add3A_183 = vector.broadcast %add3A_182 : i32 to vector<16xi32>
        %add3A_184 = arith.addi %mul3A_3, %add3A_183 : vector<16xi32>
        tpu.vector_store_idx %arg11[%add3A_184], %or3A : memref<7168xi32, #tpu.memory_space<vmem>>[vector<16xi32>], vector<16xi32>,
      }
      %scan3A_62 = arith.constant 64 : i32
      %mul3A_63 = arith.constant 7 : i32
      %mul3A_64 = arith.muli %add3A_14, %mul3A_63 : i32
      "tpu.region"() ({
        %run_scoped3A = tpu.sem_alloc : memref<!tpu.dma_semaphore, #tpu.memory_space<semaphore_mem>>
        %dma_start3A_65 = tpu.memref_slice %arg7[%mul3A_64] : memref<7340032xi32, #tpu.memory_space<hbm>> -> memref<7168xi32, #tpu.memory_space<hbm>>
        %dma_start3A_66 = tpu.memref_slice %arg7[%mul3A_64] : memref<7340032xi32, #tpu.memory_space<hbm>> -> memref<7168xi32, #tpu.memory_space<hbm>>
        tpu.enqueue_dma source(%arg11 : memref<7168xi32, #tpu.memory_space<vmem>>) target(%dma_start3A_66 : memref<7168xi32, #tpu.memory_space<hbm>>) target_semaphore(%run_scoped3A : memref<!tpu.dma_semaphore, #tpu.memory_space<semaphore_mem>>)
        %dma_wait3A_67 = tpu.memref_slice %arg7[%mul3A_64] : memref<7340032xi32, #tpu.memory_space<hbm>> -> memref<7168xi32, #tpu.memory_space<hbm>>
        %dma_wait3A_68 = tpu.memref_slice %arg7[%mul3A_64] : memref<7340032xi32, #tpu.memory_space<hbm>> -> memref<7168xi32, #tpu.memory_space<hbm>>
        tpu.wait_dma2 semaphore(%run_scoped3A : memref<!tpu.dma_semaphore, #tpu.memory_space<semaphore_mem>>) src(%arg11 : memref<7168xi32, #tpu.memory_space<vmem>>) dst(%dma_wait3A_68 : memref<7168xi32, #tpu.memory_space<hbm>>)
        tpu.yield
      }) : () -> ()
    }
    %scan3A_8 = arith.constant 32 : i32
    return
  }
}

</mosaic_0001>

<sc_bundles>
// kernel: kernel.3.cloned.1.call-start
scs
__scs_entry_jumppad:
0x0: {  	(pc) =	sbr.rel $0x88, $3  }
0x1: {  	(tag) =	ssettag $0x0;
	lr =	simm.s32 $0x1  }
0x2: {  	[smem:$0x3F99] =	sst lr;
	_ =	strace $0xD0000000  }
0x3: {  	_ = 	snop  }
0x4: {  	_ = 	snop  }
0x5: {  	_ = 	snop  }
0x6: {  	_ = 	snop  }
0x7: {  	_ = 	snop  }
__scs_overlays_trampoline_lowered:
0x8: {  	[smem:$0x3FA8] =	sst s0  }
0x9: {  	[smem:$0x3FA9] =	sst s1  }
0xa: {  	[smem:$0x3FAA] =	sst s2  }
0xb: {  	[smem:$0x3FAB] =	sst s3  }
0xc: {  	[smem:$0x3FAC] =	sst s4  }
0xd: {  	[smem:$0x3FAD] =	sst s5  }
0xe: {  	[smem:$0x3FAE] =	sst s6  }
0xf: {  	[smem:$0x3FAF] =	sst s7  }
0x10: {  	[smem:$0x3FB0] =	sst s8  }
0x11: {  	[smem:$0x3FB1] =	sst s9;
	s0 =	simm.s32 @!p0 $0x0  }
0x12: {  	s1 =	sld [smem:$0x3F97];
	s0 =	simm.s32 @p0 $0x1  }
0x13: {  	[smem:$0x3FB2] =	sst s0;
	s0 =	simm.s32 @!p1 $0x0  }
0x14: {  	s2 =	sld [smem:$0x3F96];
	s0 =	simm.s32 @p1 $0x1  }
0x15: {  	[smem:$0x3FB3] =	sst s0;
	s0 =	simm.s32 @!p2 $0x0  }
0x16: {  	s3 =	sld [smem:$0x3FDB];
	s0 =	simm.s32 @p2 $0x1  }
0x17: {  	s4 =	simm.s32 $0x1BF5;
	[smem:$0x3FB5] =	sst s0  }
0x18: {  	s0 =	sld [smem:$0x3F98];
	_ =	swait.ge [sflag:s4], $0x0  }
0x19: {  	s7 =	sld [smem:$0x3F99]  }
0x1a: {  	s8 =	sadd.s32 $0xFFFFE003, lr  }
0x1b: {  	s9 =	sadd.s32 $0xFFFFFEF7, lr;
	s5 =	simm.s32 $0xFFFFFFFF;
	p2 =	slt.u32 s8, $0xFFFFF086  }
0x1c: {  	p1 =	slt.u32 s9, $0xF7A;
	s5 =	simm.s32 @!p2 $0x0  }
0x1d: {  	s5 =	simm.s32 @p1 $0x1;
	p0 =	seq.s32 s7, s2  }
0x1e: {  	s7 =	smul.u32 @!p0 $0xF7A, s2;
	p2 =	seq.s32 @!p0 s5, $0x0  }
0x1f: {  	s9 =	smul.u32 $0xF7A, s1;
	s8 =	simm.s32 @!p0 $0x1BF5;
	p2 =	por !p2, p0  }
0x20: {  	[sflag:s8] =	ssyncset.s32 @!p0 $0xFFFFF086;
	s6 =	sadd.s32 @!p0 s3, s7;
	s7 =	simm.s32 @!p0 $0x108  }
0x21: {  	s3 =	sadd.s32 s3, s9;
	s6 =	sadd.s32 @!p0 $0x88, s6;
	s7 =	simm.s32 @p2 $0x1082  }
0x22: {  	[simem:s7], [sflag:s8] =	dma.local @!p0 [hbm:s6], $0xF7A  }
0x23: {  	s9 =	sor.u32 $0xD0000000, s2;
	s6 =	simm.s32 $0x108;
	_ =	swait.ge @!p0 [sflag:s8], $0x0  }
0x24: {  	s3 =	sadd.s32 $0x88, s3;
	s6 =	simm.s32 @!p1 $0x1082;
	[sflag:s4] =	ssyncset.s32 $0xFFFFF086  }
0x25: {  	[simem:s6], [sflag:s4] =	dma.local [hbm:s3], $0xF7A  }
0x26: {  	[smem:$0x3F99] =	sst s1;
	(tag) =	ssettag s2;
	_ =	strace s9  }
0x27: {  	s1 =	sld [smem:$0x3FA9]  }
0x28: {  	s2 =	sld [smem:$0x3FAA]  }
0x29: {  	s4 =	sld [smem:$0x3FAC]  }
0x2a: {  	p0 =	seq.s32 s5, $0x0;
	s5 =	sld [smem:$0x3FAD]  }
0x2b: {  	s6 =	sld [smem:$0x3FAE]  }
0x2c: {  	s7 =	sld [smem:$0x3FAF]  }
0x2d: {  	s3 =	simm.s32 $0x108;
	s8 =	sld [smem:$0x3FB0]  }
0x2e: {  	s3 =	simm.s32 @!p0 $0x1082;
	s9 =	sld [smem:$0x3FB1]  }
0x2f: {  	lr =	sadd.s32 s0, s3;
	s0 =	sld [smem:$0x3FA8]  }
0x30: {  	s3 =	sld [smem:$0x3FAB]  }
0x31: {  	[smem:$0x3FB4] =	sst s10  }
0x32: {  	s10 =	sld [smem:$0x3FB2];
	_ =	sdelay $0x3  }
0x33: {  	p0 =	seq.s32 s10, $0x1;
	s10 =	sld [smem:$0x3FB4];
	_ =	sdelay $0x3  }
0x34: {  	[smem:$0x3FB4] =	sst s10  }
0x35: {  	s10 =	sld [smem:$0x3FB3];
	_ =	sdelay $0x3  }
0x36: {  	p1 =	seq.s32 s10, $0x1;
	s10 =	sld [smem:$0x3FB4];
	_ =	sdelay $0x3  }
0x37: {  	[smem:$0x3FB4] =	sst s10  }
0x38: {  	s10 =	sld [smem:$0x3FB5]  }
0x39: {  	_ = 	snop;
	(pc) =	sbr.ind lr, $3  }
0x3a: {  	_ = 	snop  }
0x3b: {  	_ = 	snop  }
0x3c: {  	p2 =	seq.s32 s10, $0x1;
	s10 =	sld [smem:$0x3FB4]  }
0x3d: {  	_ =	shalt  }
0x3e: {  	_ =	shalt  }
0x3f: {  	_ =	shalt  }
0x40: {  	_ =	shalt  }
0x41: {  	_ =	shalt  }
0x42: {  	_ =	shalt  }
0x43: {  	_ =	shalt  }
0x44: {  	_ =	shalt  }
0x45: {  	_ =	shalt  }
0x46: {  	_ =	shalt  }
0x47: {  	_ =	shalt  }
0x48: {  	_ =	shalt  }
0x49: {  	_ =	shalt  }
0x4a: {  	_ =	shalt  }
0x4b: {  	_ =	shalt  }
0x4c: {  	_ =	shalt  }
0x4d: {  	_ =	shalt  }
0x4e: {  	_ =	shalt  }
0x4f: {  	_ =	shalt  }
0x50: {  	_ =	shalt  }
0x51: {  	_ =	shalt  }
0x52: {  	_ =	shalt  }
0x53: {  	_ =	shalt  }
0x54: {  	_ =	shalt  }
0x55: {  	_ =	shalt  }
0x56: {  	_ =	shalt  }
0x57: {  	_ =	shalt  }
0x58: {  	_ =	shalt  }
0x59: {  	_ =	shalt  }
0x5a: {  	_ =	shalt  }
0x5b: {  	_ =	shalt  }
0x5c: {  	_ =	shalt  }
0x5d: {  	_ =	shalt  }
0x5e: {  	_ =	shalt  }
0x5f: {  	_ =	shalt  }
0x60: {  	_ =	shalt  }
0x61: {  	_ =	shalt  }
0x62: {  	_ =	shalt  }
0x63: {  	_ =	shalt  }
0x64: {  	_ =	shalt  }
0x65: {  	_ =	shalt  }
0x66: {  	_ =	shalt  }
0x67: {  	_ =	shalt  }
0x68: {  	_ =	shalt  }
0x69: {  	_ =	shalt  }
0x6a: {  	_ =	shalt  }
0x6b: {  	_ =	shalt  }
0x6c: {  	_ =	shalt  }
0x6d: {  	_ =	shalt  }
0x6e: {  	_ =	shalt  }
0x6f: {  	_ =	shalt  }
0x70: {  	_ =	shalt  }
0x71: {  	_ =	shalt  }
0x72: {  	_ =	shalt  }
0x73: {  	_ =	shalt  }
0x74: {  	_ =	shalt  }
0x75: {  	_ =	shalt  }
0x76: {  	_ =	shalt  }
0x77: {  	_ =	shalt  }
0x78: {  	_ =	shalt  }
0x79: {  	_ =	shalt  }
0x7a: {  	_ =	shalt  }
0x7b: {  	_ =	shalt  }
0x7c: {  	_ =	shalt  }
0x7d: {  	_ =	shalt  }
0x7e: {  	_ =	shalt  }
0x7f: {  	_ =	shalt  }
0x80: {  	_ =	shalt  }
0x81: {  	_ =	shalt  }
0x82: {  	_ =	shalt  }
0x83: {  	_ =	shalt  }
0x84: {  	_ =	shalt  }
0x85: {  	_ =	shalt  }
0x86: {  	_ =	shalt  }
0x87: {  	_ =	shalt  }
.Lfunc_end0:
.L_simem_size_0:
called_computation_lowered:
.L_overlay_start_0:
0x88: {  	s2 =	sld [smem:$0x3FD9]  }
0x89: {  	s3 =	sld [smem:$0x3FFE];
	_ =	sdelay $0x1  }
0x8a: {  	s1 =	srdreg.scid  }
0x8b: {  	s0 =	sand.u32 $0x1, s1  }
0x8c: {  	s17 =	sshll.u32 s0, $0xA;
	s2 =	sadd.s32 s3, s2  }
0x8d: {  	s2 =	sadd.s32 s2, s17  }
0x8e: {  	[smem:$0x3FC0] =	sst s2  }
0x8f: {  	_ = 	snop  }
0x90: {  	s2 =	sld [smem:$0x3FD0];
	(tm) =	ssettm $0x1  }
0x91: {  	s18 =	sld [smem:$0x3FFB];
	_ =	sdelay $0x3  }
0x92: {  	_ =	strace s18  }
0x93: {  	s3 =	sld [smem:$0x3FFC];
	_ =	sdelay $0x3  }
0x94: {  	_ =	strace s3  }
0x95: {  	s3 =	sld [smem:$0x3FFD];
	_ =	sdelay $0x3  }
0x96: {  	_ =	strace s3  }
0x97: {  	_ =	strace $0x8FFFFFFF  }
0x98: {  	s19 =	sld [smem:$0x3FDB];
	_ =	sdelay $0x1  }
0x99: {  	s4 =	simm.s32 $_scs_section_size  }
0x9a: {  	s5 =	simm.s32 $_size__tile_overlayer_lowered;
	s6 =	simm.s32 $_tile_overlayer_lowered  }
0x9b: {  	s22 =	simm.s32 $0x1BFF;
	s21 =	sshll.u32 s6, $0x1;
	s3 =	sadd.s32 s4, s19  }
0x9c: {  	s7 =	simm.s32 $0x0;
	s20 =	sshll.u32 s5, $0x1;
	s5 =	sadd.s32 s21, s3  }
0x9d: {  	[timem:s7], [sflag:s22] =	dma.local [hbm:s5], s20  }
0x9e: {  	_ =	swait.ge [sflag:s22], s20  }
0x9f: {  	s4 =	ssub.s32 $0x0, s20;
	[sflag:s22] =	ssyncset.done $0x0  }
0xa0: {  	[sflag:s22] =	ssyncadd.s32 s4;
	_ =	sdelay $0x1  }
0xa1: {  	s23 =	simm.s32 $0x1B8B  }
0xa2: {  	_ =	swait.ge [sflag:s23], $0x1  }
0xa3: {  	[sflag:s23] =	ssyncset.done $0x0  }
0xa4: {  	s25 =	simm.s32 $0x1B8E;
	s24 =	sld [smem:$0x3FFE];
	[sflag:s23] =	ssyncadd.s32 $0xFFFFFFFF  }
0xa5: {  	s26 =	simm.s32 $execute0_lowered;
	[smem:$0x3FD2] =	sst s25  }
0xa6: {  	s5 =	sshll.u32 s26, $0x1;
	_ =	strace $0x80000046;
	[dreg:$0x1] =	wrdreg $0xFFFFFFFF  }
0xa7: {  	s28 =	simm.s32 $_size_execute0_lowered;
	s3 =	sadd.s32 s3, s5;
	[dreg:$0x0] =	wrdreg $0x0  }
0xa8: {  	s5 =	sshll.u32 s28, $0x1;
	[dreg:$0x2] =	wrdreg s3  }
0xa9: {  	[dreg:$0x3] =	wrdreg s5  }
0xaa: {  	[dreg:$0x4] =	wrdreg $0xC0  }
0xab: {  	_ =	task [dreg:s7], $0x5FFFF  }
0xac: {  	[dreg:$0x1] =	wrdreg $0xFFFFFFFF  }
0xad: {  	[dreg:$0x0] =	wrdreg $0x60  }
0xae: {  	[dreg:$0x2] =	wrdreg s24  }
0xaf: {  	[dreg:$0x3] =	wrdreg s2  }
0xb0: {  	[dreg:$0x4] =	wrdreg $0x9  }
0xb1: {  	_ =	task.clear_ibuf [dreg:s7], $0x5FFFF;
	_ =	strace $0x90000046  }
0xb2: {  	s29 =	simm.s32 $0x9;
	_ =	strace $0x80000048  }
0xb3: {  	_ =	swait.ge [sflag:s29], $0x1  }
0xb4: {  	[sflag:s29] =	ssyncadd.s32 $0xFFFFFFFF  }
0xb5: {  	_ =	strace $0x90000048  }
0xb6: {  	_ =	sfence  }
0xb7: {  	s30 =	sld [smem:$0x0];
	_ =	sdelay $0x2  }
0xb8: {  	s31 =	sshll.u32 s1, $0xD;
	s1 =	sshrl.u32 s1, $0x2  }
0xb9: {  	s3 =	sand.u32 $0x4000, s31;
	s1 =	sadd.s32 s1, s30  }
0xba: {  	s0 =	sor.u32 s3, s0;
	s1 =	sshll.u32 s1, $0x11  }
0xbb: {  	s0 =	sor.u32 s1, s0  }
0xbc: {  	s0 =	sadd.s32 $0x8F2B, s0  }
0xbd: {  	[sflag:s0] =	ssyncadd.remote.s32 $0x1  }
0xbe: {  	_ =	sfence.sel $0xFFFF  }
0xbf: {  	[dreg:$0x0] =	wrdreg $0xFFFFFFFF;
	(pc) =	sbr.abs _section_cstart, $3  }
0xc0: {  	[dreg:$0x1] =	wrdreg $0xFFFFFFFF  }
0xc1: {  	_ =	task.clear_ibuf [dreg:s7], $0x2FFFF;
	_ =	strace $0x9FFFFFFF  }
0xc2: {  	(tm) =	ssettm $0x7FFFFFFF  }
0xc3: {  	_ =	shalt  }
tec
execute0_lowered:
.L_overlay_start_1:
0x0: {  	(tag) =	ssettag $0x1  }
0x1: {  	s1 =	rddreg [dreg:$0x0]  }
0x2: {  	s2 =	rddreg [dreg:$0x1];
	s3 =	simm.s32 $0x0  }
0x3: {  	s0 =	srdreg.scid;
	s8 =	stileid.u32;
	s11 =	simm.s32 $0x2  }
0x4: {  	s12 =	simm.s32 $0x15500;
	s13 =	simm.s32 $0x15900;
	s14 =	simm.s32 $0x15D00  }
0x5: {  	s15 =	simm.s32 $0x400;
	s16 =	simm.s32 $0x17900;
	s17 =	simm.s32 $0x17D00  }
0x6: {  	s18 =	simm.s32 $0x18100;
	s19 =	simm.s32 $0x18500;
	s20 =	simm.s32 $0x1  }
0x7: {  	s21 =	simm.s32 $0x18900;
	s22 =	simm.s32 $0x18D00;
	s23 =	simm.s32 $0x19100  }
0x8: {  	s24 =	simm.s32 $0x19500;
	[smem:$0x7FF] =	sst s3;
	s0 =	sand.u32 $0x1, s0  }
0x9: {  	v0 =	vlaneseq.u32;
	s5 =	sadd.s32 $0x20000, s1;
	s4 =	sadd.s32 $0x68000, s1;
	s29 =	ssub.s32 $0x2, s0  }
0xa: {  	s7 =	sadd.s32 $0x60000, s1;
	s30 =	sshll.u32 s8, $0x10;
	v0 =	vmul.u32 $0x7, v0;
	s6 =	sshrl.u32 s29, $0x1  }
0xb: {  	_ =	strace $0x80000047;
	[dreg:$0x3] =	wrdreg s4;
	s4 =	ssub.s32 s29, s6  }
0xc: {  	s8 =	sadd.s32 $0x40000, s1;
	s0 =	sshll.u32 s0, $0xF;
	v1 =	vadd.s32 $0x1, v0;
	s31 =	smax.u32 s4, $0x1  }
0xd: {  	s9 =	sor.u32 s0, s30;
	v2 =	vadd.s32 $0x2, v0;
	v3 =	vadd.s32 $0x3, v0;
	v4 =	vadd.s32 $0x4, v0;
	s4 =	simm.s32 $0x0;
	[dreg:$0x4] =	wrdreg s31  }
.LBB2_1:
0xe: {  	[dreg:$0x5] =	wrdreg s4  }
0xf: {  	s0 =	rddreg [dreg:$0x3]  }
0x10: {  	[tilespmem:s3], [sflag:$0x2] =	stream.linear.gather [hbm4b:s0+s3], $0x15500, $0x38;
	[tilespmem:$0x1A900] =	vst v63  }
0x11: {  	_ =	swait.ge [sflag:s11], $0x15500  }
0x12: {  	[sflag:s11] =	ssyncset.done $0x0  }
0x13: {  	s26 =	simm.s32 $0x0;
	[sflag:s11] =	ssyncadd.s32 $0xFFFEAB00  }
.LBB2_2:
0x14: {  	s0 =	sshll.u32 s26, $0xA  }
0x15: {  	s28 =	sadd.s32 s9, s0  }
0x16: {  	s0 =	sshrl.u32 s28, $0x3  }
0x17: {  	s29 =	simm.s32 $0x0;
	s4 =	sadd.s32 s5, s0  }
0x18: {  	[tilespmem:s12], [sflag:$0x2] =	stream.linear.gather [hbm4b:s4+s29], $0x400, $0x38;
	[tilespmem:$0x1A900] =	vst v63  }
0x19: {  	_ =	swait.ge [sflag:s11], $0x400  }
0x1a: {  	[sflag:s11] =	ssyncset.done $0x0  }
0x1b: {  	s0 =	sadd.s32 s1, s0;
	[sflag:s11] =	ssyncadd.s32 $0xFFFFFC00  }
0x1c: {  	[tilespmem:s13], [sflag:$0x2] =	stream.linear.gather [hbm4b:s0+s29], $0x400, $0x38;
	[tilespmem:$0x1A900] =	vst v63  }
0x1d: {  	_ =	swait.ge [sflag:s11], $0x400  }
0x1e: {  	[sflag:s11] =	ssyncset.done $0x0  }
0x1f: {  	s30 =	simm.s32 $0x0;
	[sflag:s11] =	ssyncadd.s32 $0xFFFFFC00  }
.LBB2_3:
0x20: {  	s31 =	sshra.s32 s30, $0x2  }
0x21: {  	v5 =	vld [tilespmem:s31+$0x15900]  }
0x22: {  	v6 =	vld [tilespmem:s31+$0x15500];
	_ =	sdelay $0x3  }
0x23: {  	v5 =	vmax.f32 v5, $0.0e+00  }
0x24: {  	v7 =	vmax.f32 v6, $0.0e+00;
	v6 =	vmin.f32 v5, $9.999989860e-01  }
0x25: {  	v5 =	vmin.f32 v7, $9.999989860e-01;
	v7 =	vmul.f32 $1.500000000e+01, v6  }
0x26: {  	v8 =	vmul.f32 $1.500000000e+01, v5  }
0x27: {  	v9 =	vtrunc.f32 v7  }
0x28: {  	v10 =	vtrunc.f32 v8;
	v9 =	vcvt.f32.s32 v9  }
0x29: {  	v10 =	vcvt.f32.s32 v10  }
0x2a: {  	v11 =	vshll.u32 v9, $0x4  }
0x2b: {  	v11 =	vadd.s32 v10, v11  }
0x2c: {  	v12 =	vadd.s32 $0x1, v11  }
0x2d: {  	v13 =	vadd.s32 $0x10, v11  }
0x2e: {  	v14 =	vadd.s32 $0x11, v11;
	_ =	sdelay $0x1  }
0x2f: {  	v11 =	vld.idx.msk [tilespmem:v11+s3+$0x0], $0xffff  }
0x30: {  	v9 =	vcvt.s32.f32 v9;
	v10 =	vcvt.s32.f32 v10;
	v12 =	vld.idx.msk [tilespmem:v12+s3+$0x0], $0xffff  }
0x31: {  	v13 =	vld.idx.msk [tilespmem:v13+s3+$0x0], $0xffff  }
0x32: {  	v7 =	vsub.f32 v7, v9;
	v8 =	vsub.f32 v8, v10;
	v14 =	vld.idx.msk [tilespmem:v14+s3+$0x0], $0xffff  }
0x33: {  	v62 =	vmul.f32 $3.100000000e+01, v6  }
0x34: {  	v63 =	vmul.f32 $3.100000000e+01, v5;
	v18 =	vsub.f32 $1.000000000e+00, v7;
	v15 =	vsub.f32 $1.000000000e+00, v8  }
0x35: {  	v57 =	vshll.u32 v11, $0x10;
	v58 =	vand.u32 $0xFFFF0000, v11;
	v59 =	vshll.u32 v12, $0x10  }
0x36: {  	v12 =	vand.u32 $0xFFFF0000, v12;
	v16 =	vshll.u32 v13, $0x10;
	v13 =	vand.u32 $0xFFFF0000, v13  }
0x37: {  	v17 =	vshll.u32 v14, $0x10;
	v9 =	vmul.f32 v57, v15;
	v11 =	vmul.f32 v59, v8  }
0x38: {  	v14 =	vand.u32 $0xFFFF0000, v14;
	v10 =	vmul.f32 v58, v15;
	v60 =	vmul.f32 v12, v8  }
0x39: {  	v16 =	vmul.f32 v16, v15;
	v17 =	vmul.f32 v17, v8;
	v9 =	vadd.f32 v9, v11  }
0x3a: {  	v13 =	vmul.f32 v13, v15;
	v8 =	vmul.f32 v14, v8;
	v10 =	vadd.f32 v10, v60  }
0x3b: {  	v19 =	vtrunc.f32 v63;
	v61 =	vadd.f32 v17, v16;
	v9 =	vmul.f32 v9, v18  }
0x3c: {  	v8 =	vadd.f32 v8, v13;
	v10 =	vmul.f32 v10, v18;
	v18 =	vtrunc.f32 v62  }
0x3d: {  	v20 =	vcvt.f32.s32 v19;
	v13 =	vcvt.f32.s32 v18  }
0x3e: {  	v12 =	vmul.f32 v61, v7;
	v7 =	vmul.f32 v8, v7  }
0x3f: {  	v21 =	vadd.s32 s29, v0;
	v22 =	vshll.u32 v13, $0x5  }
0x40: {  	v9 =	vadd.f32 v12, v9;
	v7 =	vadd.f32 v7, v10;
	v23 =	vadd.s32 v20, v22  }
0x41: {  	v24 =	vadd.s32 $0x100, v23  }
0x42: {  	v9 =	vadd.s32 $0x8000, v9;
	v7 =	vadd.s32 $0x8000, v7;
	v16 =	vadd.s32 $0x101, v23  }
0x43: {  	v9 =	vshrl.u32 v9, $0x10;
	v7 =	vand.u32 $0xFFFF0000, v7;
	v25 =	vadd.s32 $0x120, v23  }
0x44: {  	v26 =	vadd.s32 $0x121, v23;
	v7 =	vor.u32 v7, v9  }
0x45: {  	[tilespmem:v21+s14+$0x0] =	vst.idx.msk $0xffff, v7  }
0x46: {  	v7 =	vld.idx.msk [tilespmem:v24+s3+$0x0], $0xffff  }
0x47: {  	v8 =	vcvt.s32.f32 v20;
	v27 =	vld.idx.msk [tilespmem:v16+s3+$0x0], $0xffff  }
0x48: {  	v28 =	vld.idx.msk [tilespmem:v25+s3+$0x0], $0xffff  }
0x49: {  	v37 =	vmul.f32 $6.300000000e+01, v6;
	v39 =	vmul.f32 $6.300000000e+01, v5;
	v8 =	vsub.f32 v63, v8;
	v9 =	vld.idx.msk [tilespmem:v26+s3+$0x0], $0xffff  }
0x4a: {  	v13 =	vcvt.s32.f32 v13  }
0x4b: {  	v40 =	vtrunc.f32 v37;
	v41 =	vtrunc.f32 v39;
	v31 =	vsub.f32 $1.000000000e+00, v8  }
0x4c: {  	v11 =	vsub.f32 v62, v13;
	v29 =	vshll.u32 v7, $0x10;
	v7 =	vand.u32 $0xFFFF0000, v7  }
0x4d: {  	v30 =	vshll.u32 v27, $0x10;
	v10 =	vand.u32 $0xFFFF0000, v27;
	v32 =	vshll.u32 v28, $0x10  }
0x4e: {  	v33 =	vshll.u32 v9, $0x10;
	v13 =	vmul.f32 v29, v31;
	v14 =	vmul.f32 v30, v8  }
0x4f: {  	v12 =	vand.u32 $0xFFFF0000, v28;
	v16 =	vmul.f32 v32, v31;
	v17 =	vmul.f32 v33, v8  }
0x50: {  	v9 =	vand.u32 $0xFFFF0000, v9;
	v7 =	vmul.f32 v7, v31;
	v10 =	vmul.f32 v10, v8  }
0x51: {  	v34 =	vsub.f32 $1.000000000e+00, v11;
	v12 =	vmul.f32 v12, v31;
	v8 =	vmul.f32 v9, v8  }
0x52: {  	v42 =	vcvt.f32.s32 v41;
	v13 =	vadd.f32 v14, v13;
	v35 =	vadd.f32 v17, v16  }
0x53: {  	v7 =	vadd.f32 v10, v7;
	v8 =	vadd.f32 v8, v12;
	v12 =	vcvt.f32.s32 v40  }
0x54: {  	v36 =	vmul.f32 v13, v34;
	v38 =	vmul.f32 v35, v11  }
0x55: {  	v7 =	vmul.f32 v7, v34;
	v8 =	vmul.f32 v8, v11  }
0x56: {  	v44 =	vadd.s32 s29, v1;
	v43 =	vshll.u32 v12, $0x6  }
0x57: {  	v13 =	vadd.s32 v42, v43;
	v9 =	vadd.f32 v38, v36;
	v7 =	vadd.f32 v8, v7  }
0x58: {  	v45 =	vadd.s32 $0x500, v13  }
0x59: {  	v46 =	vadd.s32 $0x501, v13;
	v9 =	vadd.s32 $0x8000, v9;
	v7 =	vadd.s32 $0x8000, v7  }
0x5a: {  	v47 =	vadd.s32 $0x540, v13;
	v9 =	vshrl.u32 v9, $0x10;
	v7 =	vand.u32 $0xFFFF0000, v7  }
0x5b: {  	v48 =	vadd.s32 $0x541, v13;
	v7 =	vor.u32 v7, v9  }
0x5c: {  	[tilespmem:v44+s14+$0x0] =	vst.idx.msk $0xffff, v7  }
0x5d: {  	v7 =	vld.idx.msk [tilespmem:v45+s3+$0x0], $0xffff  }
0x5e: {  	v50 =	vld.idx.msk [tilespmem:v46+s3+$0x0], $0xffff  }
0x5f: {  	v49 =	vcvt.s32.f32 v42;
	v57 =	vmul.f32 $1.270000000e+02, v6;
	v51 =	vld.idx.msk [tilespmem:v47+s3+$0x0], $0xffff  }
0x60: {  	v58 =	vmul.f32 $1.270000000e+02, v5;
	v12 =	vcvt.s32.f32 v12;
	v9 =	vld.idx.msk [tilespmem:v48+s3+$0x0], $0xffff  }
0x61: {  	v8 =	vsub.f32 v39, v49  }
0x62: {  	v59 =	vtrunc.f32 v57;
	v61 =	vtrunc.f32 v58;
	v10 =	vsub.f32 v37, v12  }
0x63: {  	v52 =	vsub.f32 $1.000000000e+00, v8;
	v53 =	vshll.u32 v7, $0x10;
	v7 =	vand.u32 $0xFFFF0000, v7  }
0x64: {  	v54 =	vshll.u32 v50, $0x10;
	v11 =	vand.u32 $0xFFFF0000, v50;
	v55 =	vshll.u32 v51, $0x10  }
0x65: {  	v56 =	vshll.u32 v9, $0x10;
	v14 =	vmul.f32 v53, v52;
	v15 =	vmul.f32 v54, v8  }
0x66: {  	v13 =	vand.u32 $0xFFFF0000, v51;
	v16 =	vmul.f32 v55, v52;
	v17 =	vmul.f32 v56, v8  }
0x67: {  	v9 =	vand.u32 $0xFFFF0000, v9;
	v7 =	vmul.f32 v7, v52;
	v11 =	vmul.f32 v11, v8  }
0x68: {  	v19 =	vsub.f32 $1.000000000e+00, v10;
	v12 =	vmul.f32 v13, v52;
	v8 =	vmul.f32 v9, v8  }
0x69: {  	v9 =	vcvt.f32.s32 v59;
	v14 =	vadd.f32 v15, v14;
	v60 =	vadd.f32 v17, v16  }
0x6a: {  	v62 =	vcvt.f32.s32 v61;
	v7 =	vadd.f32 v11, v7;
	v8 =	vadd.f32 v8, v12  }
0x6b: {  	v21 =	vshll.u32 v9, $0x7;
	v63 =	vmul.f32 v14, v19;
	v20 =	vmul.f32 v60, v10  }
0x6c: {  	v22 =	vadd.s32 v62, v21;
	v7 =	vmul.f32 v7, v19;
	v8 =	vmul.f32 v8, v10  }
0x6d: {  	v24 =	vand.u32 $0x7F, v62;
	v25 =	vadd.s32 s29, v2;
	v23 =	vand.u32 $0xFFFFFF80, v22  }
0x6e: {  	v14 =	vor.u32 v24, v23;
	v12 =	vadd.f32 v20, v63;
	v7 =	vadd.f32 v8, v7  }
0x6f: {  	v15 =	vadd.s32 $0x1500, v14  }
0x70: {  	v26 =	vadd.s32 $0x1501, v22;
	v12 =	vadd.s32 $0x8000, v12;
	v7 =	vadd.s32 $0x8000, v7  }
0x71: {  	v14 =	vadd.s32 $0x1580, v14;
	v12 =	vshrl.u32 v12, $0x10;
	v7 =	vand.u32 $0xFFFF0000, v7  }
0x72: {  	v10 =	vadd.s32 $0x1581, v22;
	v7 =	vor.u32 v7, v12  }
0x73: {  	[tilespmem:v25+s14+$0x0] =	vst.idx.msk $0xffff, v7  }
0x74: {  	v7 =	vld.idx.msk [tilespmem:v15+s3+$0x0], $0xffff  }
0x75: {  	v28 =	vld.idx.msk [tilespmem:v26+s3+$0x0], $0xffff  }
0x76: {  	v27 =	vcvt.s32.f32 v62;
	v34 =	vmul.f32 $2.550000000e+02, v6;
	v29 =	vld.idx.msk [tilespmem:v14+s3+$0x0], $0xffff  }
0x77: {  	v36 =	vmul.f32 $2.550000000e+02, v5;
	v9 =	vcvt.s32.f32 v9;
	v10 =	vld.idx.msk [tilespmem:v10+s3+$0x0], $0xffff  }
0x78: {  	v8 =	vsub.f32 v58, v27  }
0x79: {  	v37 =	vtrunc.f32 v34;
	v39 =	vtrunc.f32 v36;
	v9 =	vsub.f32 v57, v9  }
0x7a: {  	v13 =	vsub.f32 $1.000000000e+00, v8;
	v30 =	vshll.u32 v7, $0x10;
	v7 =	vand.u32 $0xFFFF0000, v7  }
0x7b: {  	v31 =	vshll.u32 v28, $0x10;
	v11 =	vand.u32 $0xFFFF0000, v28;
	v32 =	vshll.u32 v29, $0x10  }
0x7c: {  	v33 =	vshll.u32 v10, $0x10;
	v14 =	vmul.f32 v30, v13;
	v15 =	vmul.f32 v31, v8  }
0x7d: {  	v12 =	vand.u32 $0xFFFF0000, v29;
	v16 =	vmul.f32 v32, v13;
	v17 =	vmul.f32 v33, v8  }
0x7e: {  	v10 =	vand.u32 $0xFFFF0000, v10;
	v7 =	vmul.f32 v7, v13;
	v11 =	vmul.f32 v11, v8  }
0x7f: {  	v35 =	vsub.f32 $1.000000000e+00, v9;
	v12 =	vmul.f32 v12, v13;
	v8 =	vmul.f32 v10, v8  }
0x80: {  	v10 =	vcvt.f32.s32 v37;
	v14 =	vadd.f32 v15, v14;
	v38 =	vadd.f32 v17, v16  }
0x81: {  	v40 =	vcvt.f32.s32 v39;
	v7 =	vadd.f32 v11, v7;
	v8 =	vadd.f32 v8, v12  }
0x82: {  	v43 =	vshll.u32 v10, $0x8;
	v41 =	vmul.f32 v14, v35;
	v42 =	vmul.f32 v38, v9  }
0x83: {  	v44 =	vadd.s32 v40, v43;
	v7 =	vmul.f32 v7, v35;
	v8 =	vmul.f32 v8, v9  }
0x84: {  	v46 =	vand.u32 $0x7F, v40;
	v47 =	vadd.s32 s29, v3;
	v45 =	vand.u32 $0xFFFFFF80, v44  }
0x85: {  	v14 =	vor.u32 v46, v45;
	v12 =	vadd.f32 v42, v41;
	v7 =	vadd.f32 v8, v7  }
0x86: {  	v15 =	vadd.s32 $0x5500, v14  }
0x87: {  	v48 =	vadd.s32 $0x5501, v44;
	v12 =	vadd.s32 $0x8000, v12;
	v7 =	vadd.s32 $0x8000, v7  }
0x88: {  	v14 =	vadd.s32 $0x5600, v14;
	v12 =	vshrl.u32 v12, $0x10;
	v7 =	vand.u32 $0xFFFF0000, v7  }
0x89: {  	v9 =	vadd.s32 $0x5601, v44;
	v7 =	vor.u32 v7, v12  }
0x8a: {  	[tilespmem:v47+s14+$0x0] =	vst.idx.msk $0xffff, v7  }
0x8b: {  	v7 =	vld.idx.msk [tilespmem:v15+s3+$0x0], $0xffff  }
0x8c: {  	v8 =	vld.idx.msk [tilespmem:v48+s3+$0x0], $0xffff  }
0x8d: {  	v11 =	vcvt.s32.f32 v40;
	v49 =	vld.idx.msk [tilespmem:v14+s3+$0x0], $0xffff  }
0x8e: {  	v10 =	vcvt.s32.f32 v10;
	v9 =	vld.idx.msk [tilespmem:v9+s3+$0x0], $0xffff  }
0x8f: {  	v11 =	vsub.f32 v36, v11  }
0x90: {  	v62 =	vmul.f32 $5.110000000e+02, v5;
	v5 =	vmul.f32 $1.023000000e+03, v5;
	v10 =	vsub.f32 v34, v10  }
0x91: {  	v51 =	vsub.f32 $1.000000000e+00, v11;
	v50 =	vshll.u32 v7, $0x10;
	v7 =	vand.u32 $0xFFFF0000, v7  }
0x92: {  	v52 =	vshll.u32 v8, $0x10;
	v8 =	vand.u32 $0xFFFF0000, v8;
	v53 =	vshll.u32 v49, $0x10  }
0x93: {  	v54 =	vshll.u32 v9, $0x10;
	v13 =	vmul.f32 v50, v51;
	v15 =	vmul.f32 v52, v11  }
0x94: {  	v12 =	vand.u32 $0xFFFF0000, v49;
	v16 =	vmul.f32 v53, v51;
	v17 =	vmul.f32 v54, v11  }
0x95: {  	v9 =	vand.u32 $0xFFFF0000, v9;
	v7 =	vmul.f32 v7, v51;
	v8 =	vmul.f32 v8, v11  }
0x96: {  	v18 =	vsub.f32 $1.000000000e+00, v10;
	v12 =	vmul.f32 v12, v51;
	v9 =	vmul.f32 v9, v11  }
0x97: {  	v60 =	vmul.f32 $5.110000000e+02, v6;
	v55 =	vadd.f32 v15, v13;
	v56 =	vadd.f32 v17, v16  }
0x98: {  	v6 =	vmul.f32 $1.023000000e+03, v6;
	v7 =	vadd.f32 v8, v7;
	v57 =	vadd.f32 v9, v12  }
0x99: {  	v58 =	vmul.f32 v55, v18;
	v59 =	vmul.f32 v56, v10  }
0x9a: {  	v7 =	vmul.f32 v7, v18;
	v8 =	vmul.f32 v57, v10  }
0x9b: {  	v61 =	vadd.s32 s29, v4;
	v5 =	vtrunc.f32 v5;
	v6 =	vtrunc.f32 v6  }
0x9c: {  	v6 =	vcvt.f32.s32 v6;
	v9 =	vadd.f32 v59, v58;
	v7 =	vadd.f32 v8, v7  }
0x9d: {  	v11 =	vtrunc.f32 v62;
	v8 =	vtrunc.f32 v60  }
0x9e: {  	v8 =	vcvt.f32.s32 v8;
	v9 =	vadd.s32 $0x8000, v9;
	v7 =	vadd.s32 $0x8000, v7  }
0x9f: {  	v11 =	vcvt.f32.s32 v11;
	v9 =	vshrl.u32 v9, $0x10;
	v7 =	vand.u32 $0xFFFF0000, v7  }
0xa0: {  	v5 =	vcvt.f32.s32 v5;
	v8 =	vshll.u32 v8, $0x9;
	v7 =	vor.u32 v7, v9  }
0xa1: {  	v6 =	vshll.u32 v6, $0xA;
	[tilespmem:v61+s14+$0x0] =	vst.idx.msk $0xffff, v7;
	v7 =	vadd.s32 v11, v8  }
0xa2: {  	v5 =	vadd.s32 v5, v6;
	[tilespmem:s31+$0x17900] =	vst v7  }
0xa3: {  	v6 =	vadd.s32 $0x1, v5;
	[tilespmem:s31+$0x18900] =	vst v5  }
0xa4: {  	p0 =	sne.s32 s30, $0xFC0;
	v8 =	vadd.s32 $0x1, v7;
	[tilespmem:s31+$0x18D00] =	vst v6  }
.Ltmp0:
0xa5: {  	v63 =	vadd.s32 $0x200, v7;
	[tilespmem:s31+$0x17D00] =	vst v8;
	(pc) =	sbr.rel @p0 .LBB2_3-.Ltmp0, $4  }
0xa6: {  	v7 =	vadd.s32 $0x201, v7;
	[tilespmem:s31+$0x18100] =	vst v63  }
0xa7: {  	v6 =	vadd.s32 $0x400, v5;
	[tilespmem:s31+$0x18500] =	vst v7  }
0xa8: {  	v5 =	vadd.s32 $0x401, v5;
	[tilespmem:s31+$0x19100] =	vst v6  }
0xa9: {  	s30 =	sadd.s32 $0x40, s30;
	s29 =	sadd.s32 $0x70, s29;
	[tilespmem:s31+$0x19500] =	vst v5  }
0xaa: {  	s0 =	simm.s32 $0x19900  }
0xab: {  	[tilespmem:s0], [sflag:$0x1] =	stream.indirect.gather [hbm4b:s7+s15], $0x1, s16, s15, $0xb8;
	[tilespmem:$0x1A900] =	vst v63  }
0xac: {  	s31 =	simm.s32 $0x19D00  }
0xad: {  	[tilespmem:s31], [sflag:$0x1] =	stream.indirect.gather [hbm4b:s7+s15], $0x1, s17, s15, $0xb8;
	[tilespmem:$0x1A900] =	vst v63  }
0xae: {  	s30 =	simm.s32 $0x1A100  }
0xaf: {  	[tilespmem:s30], [sflag:$0x1] =	stream.indirect.gather [hbm4b:s7+s15], $0x1, s18, s15, $0xb8;
	[tilespmem:$0x1A900] =	vst v63  }
0xb0: {  	s29 =	simm.s32 $0x1A500  }
0xb1: {  	[tilespmem:s29], [sflag:$0x1] =	stream.indirect.gather [hbm4b:s7+s15], $0x1, s19, s15, $0xb8;
	[tilespmem:$0x1A900] =	vst v63  }
0xb2: {  	_ =	swait.ge [sflag:s20], $0x400  }
0xb3: {  	[sflag:s20] =	ssyncset.done $0x0  }
0xb4: {  	[sflag:s20] =	ssyncadd.s32 $0xFFFFFC00  }
0xb5: {  	_ =	swait.ge [sflag:s20], $0x400  }
0xb6: {  	[sflag:s20] =	ssyncset.done $0x0  }
0xb7: {  	[sflag:s20] =	ssyncadd.s32 $0xFFFFFC00  }
0xb8: {  	_ =	swait.ge [sflag:s20], $0x400  }
0xb9: {  	[sflag:s20] =	ssyncset.done $0x0  }
0xba: {  	[sflag:s20] =	ssyncadd.s32 $0xFFFFFC00  }
0xbb: {  	_ =	swait.ge [sflag:s20], $0x400  }
0xbc: {  	[sflag:s20] =	ssyncset.done $0x0  }
0xbd: {  	s4 =	simm.s32 $0x15500;
	[sflag:s20] =	ssyncadd.s32 $0xFFFFFC00  }
0xbe: {  	v5 =	vld [tilespmem:s4+$0x0];
	_ =	sdelay $0x1  }
0xbf: {  	s4 =	simm.s32 $0x15900  }
0xc0: {  	v6 =	vld [tilespmem:s4+$0x0];
	_ =	sdelay $0x1  }
0xc1: {  	v5 =	vmax.f32 v5, $0.0e+00  }
0xc2: {  	v5 =	vmin.f32 v5, $9.999989860e-01  }
0xc3: {  	v7 =	vld [tilespmem:s0+$0x0];
	v5 =	vmul.f32 $5.110000000e+02, v5  }
0xc4: {  	v8 =	vld [tilespmem:s31+$0x0];
	v6 =	vmax.f32 v6, $0.0e+00  }
0xc5: {  	v10 =	vld [tilespmem:s30+$0x0];
	v6 =	vmin.f32 v6, $9.999989860e-01;
	v9 =	vtrunc.f32 v5  }
0xc6: {  	v11 =	vld [tilespmem:s29+$0x0];
	v6 =	vmul.f32 $5.110000000e+02, v6;
	v9 =	vcvt.f32.s32 v9;
	_ =	sdelay $0x1  }
0xc7: {  	v13 =	vshll.u32 v7, $0x10;
	v12 =	vtrunc.f32 v6;
	v9 =	vcvt.s32.f32 v9  }
0xc8: {  	v7 =	vand.u32 $0xFFFF0000, v7;
	v14 =	vshll.u32 v8, $0x10;
	v12 =	vcvt.f32.s32 v12  }
0xc9: {  	v8 =	vand.u32 $0xFFFF0000, v8;
	v61 =	vshll.u32 v10, $0x10;
	v5 =	vsub.f32 v5, v9  }
0xca: {  	v15 =	vshll.u32 v11, $0x10;
	v11 =	vand.u32 $0xFFFF0000, v11;
	v12 =	vcvt.s32.f32 v12  }
0xcb: {  	v16 =	vsub.f32 $1.000000000e+00, v5;
	v14 =	vmul.f32 v14, v5;
	v15 =	vmul.f32 v15, v5  }
0xcc: {  	v6 =	vsub.f32 v6, v12;
	v8 =	vmul.f32 v8, v5;
	v5 =	vmul.f32 v11, v5  }
0xcd: {  	v10 =	vand.u32 $0xFFFF0000, v10;
	v62 =	vmul.f32 v13, v16;
	v9 =	vmul.f32 v61, v16  }
0xce: {  	v12 =	vsub.f32 $1.000000000e+00, v6;
	v7 =	vmul.f32 v7, v16;
	v10 =	vmul.f32 v10, v16  }
0xcf: {  	v11 =	vadd.f32 v62, v14;
	v9 =	vadd.f32 v15, v9  }
0xd0: {  	v7 =	vadd.f32 v7, v8;
	v5 =	vadd.f32 v5, v10  }
0xd1: {  	v63 =	vmul.f32 v11, v12;
	v9 =	vmul.f32 v9, v6  }
0xd2: {  	v7 =	vmul.f32 v7, v12;
	v5 =	vmul.f32 v5, v6  }
0xd3: {  	s6 =	simm.s32 $0x5  }
0xd4: {  	v6 =	vadd.f32 v9, v63;
	v5 =	vadd.f32 v5, v7;
	v7 =	vadd.s32 s6, v0;
	_ =	sdelay $0x1  }
0xd5: {  	v6 =	vadd.s32 $0x8000, v6;
	v5 =	vadd.s32 $0x8000, v5  }
0xd6: {  	v6 =	vshrl.u32 v6, $0x10;
	v5 =	vand.u32 $0xFFFF0000, v5  }
0xd7: {  	v5 =	vor.u32 v5, v6  }
0xd8: {  	s10 =	simm.s32 $0x15510;
	[tilespmem:v7+s14+$0x0] =	vst.idx.msk $0xffff, v5  }
0xd9: {  	v5 =	vld [tilespmem:s10+$0x0]  }
0xda: {  	s25 =	simm.s32 $0xE5;
	s6 =	simm.s32 $0x75  }
.LBB2_5:
0xdb: {  	p0 =	sne.s32 s25, $0x1B95;
	s4 =	sadd.s32 $0x10, s4  }
0xdc: {  	v6 =	vld [tilespmem:s4+$0x0];
	_ =	sdelay $0x1  }
0xdd: {  	v5 =	vmax.f32 v5, $0.0e+00  }
0xde: {  	s0 =	sadd.s32 $0x10, s0;
	v5 =	vmin.f32 v5, $9.999989860e-01  }
0xdf: {  	s31 =	sadd.s32 $0x10, s31;
	v5 =	vmul.f32 $5.110000000e+02, v5;
	v7 =	vld [tilespmem:s0+$0x0]  }
0xe0: {  	s30 =	sadd.s32 $0x10, s30;
	v6 =	vmax.f32 v6, $0.0e+00;
	v8 =	vld [tilespmem:s31+$0x0]  }
0xe1: {  	s29 =	sadd.s32 $0x10, s29;
	v6 =	vmin.f32 v6, $9.999989860e-01;
	v9 =	vtrunc.f32 v5;
	v10 =	vld [tilespmem:s30+$0x0]  }
0xe2: {  	v6 =	vmul.f32 $5.110000000e+02, v6;
	v9 =	vcvt.f32.s32 v9;
	v11 =	vld [tilespmem:s29+$0x0];
	_ =	sdelay $0x1  }
0xe3: {  	v12 =	vtrunc.f32 v6;
	v9 =	vcvt.s32.f32 v9;
	v13 =	vshll.u32 v7, $0x10  }
0xe4: {  	v7 =	vand.u32 $0xFFFF0000, v7;
	v12 =	vcvt.f32.s32 v12;
	v14 =	vshll.u32 v8, $0x10  }
0xe5: {  	v8 =	vand.u32 $0xFFFF0000, v8;
	v5 =	vsub.f32 v5, v9;
	v9 =	vshll.u32 v10, $0x10  }
0xe6: {  	v12 =	vcvt.s32.f32 v12;
	v15 =	vshll.u32 v11, $0x10;
	v11 =	vand.u32 $0xFFFF0000, v11  }
0xe7: {  	v16 =	vsub.f32 $1.000000000e+00, v5;
	v14 =	vmul.f32 v14, v5;
	v15 =	vmul.f32 v15, v5  }
0xe8: {  	v8 =	vmul.f32 v8, v5;
	v5 =	vmul.f32 v11, v5;
	v6 =	vsub.f32 v6, v12  }
0xe9: {  	v10 =	vand.u32 $0xFFFF0000, v10;
	v11 =	vmul.f32 v13, v16;
	v9 =	vmul.f32 v9, v16  }
0xea: {  	v7 =	vmul.f32 v7, v16;
	v10 =	vmul.f32 v10, v16;
	v12 =	vsub.f32 $1.000000000e+00, v6  }
0xeb: {  	v11 =	vadd.f32 v11, v14;
	v9 =	vadd.f32 v15, v9  }
0xec: {  	v7 =	vadd.f32 v7, v8;
	v5 =	vadd.f32 v5, v10  }
0xed: {  	v8 =	vmul.f32 v11, v12;
	v9 =	vmul.f32 v9, v6  }
0xee: {  	v7 =	vmul.f32 v7, v12;
	v5 =	vmul.f32 v5, v6;
	_ =	sdelay $0x1  }
0xef: {  	v6 =	vadd.f32 v9, v8;
	v5 =	vadd.f32 v5, v7;
	v7 =	vadd.s32 s6, v0;
	s6 =	smov.u32 s25;
	_ =	sdelay $0x1  }
0xf0: {  	v6 =	vadd.s32 $0x8000, v6;
	v5 =	vadd.s32 $0x8000, v5  }
.Ltmp1:
0xf1: {  	v6 =	vshrl.u32 v6, $0x10;
	v5 =	vand.u32 $0xFFFF0000, v5;
	(pc) =	sbr.rel @p0 .LBB2_5-.Ltmp1, $4  }
0xf2: {  	v5 =	vor.u32 v5, v6  }
0xf3: {  	s10 =	sadd.s32 $0x10, s10;
	[tilespmem:v7+s14+$0x0] =	vst.idx.msk $0xffff, v5  }
0xf4: {  	v5 =	vld [tilespmem:s10+$0x0]  }
0xf5: {  	s25 =	sadd.s32 $0x70, s25  }
0xf6: {  	s4 =	sadd.s32 $0x10, s4  }
0xf7: {  	v6 =	vld [tilespmem:s4+$0x0];
	_ =	sdelay $0x1  }
0xf8: {  	v5 =	vmax.f32 v5, $0.0e+00  }
0xf9: {  	s0 =	sadd.s32 $0x10, s0;
	v5 =	vmin.f32 v5, $9.999989860e-01  }
0xfa: {  	s10 =	sadd.s32 $0x10, s31;
	v7 =	vld [tilespmem:s0+$0x0];
	v5 =	vmul.f32 $5.110000000e+02, v5  }
0xfb: {  	s25 =	sadd.s32 $0x10, s30;
	v8 =	vld [tilespmem:s10+$0x0];
	v6 =	vmax.f32 v6, $0.0e+00  }
0xfc: {  	v10 =	vld [tilespmem:s25+$0x0];
	s4 =	sadd.s32 $0x10, s29;
	v6 =	vmin.f32 v6, $9.999989860e-01;
	v9 =	vtrunc.f32 v5  }
0xfd: {  	v11 =	vld [tilespmem:s4+$0x0];
	v6 =	vmul.f32 $5.110000000e+02, v6;
	v9 =	vcvt.f32.s32 v9;
	_ =	sdelay $0x1  }
0xfe: {  	v13 =	vshll.u32 v7, $0x10;
	v12 =	vtrunc.f32 v6;
	v9 =	vcvt.s32.f32 v9  }
0xff: {  	v7 =	vand.u32 $0xFFFF0000, v7;
	v14 =	vshll.u32 v8, $0x10;
	v12 =	vcvt.f32.s32 v12  }
0x100: {  	v8 =	vand.u32 $0xFFFF0000, v8;
	v49 =	vshll.u32 v10, $0x10;
	v5 =	vsub.f32 v5, v9  }
0x101: {  	v15 =	vshll.u32 v11, $0x10;
	v11 =	vand.u32 $0xFFFF0000, v11;
	v12 =	vcvt.s32.f32 v12  }
0x102: {  	v16 =	vsub.f32 $1.000000000e+00, v5;
	v14 =	vmul.f32 v14, v5;
	v15 =	vmul.f32 v15, v5  }
0x103: {  	v8 =	vmul.f32 v8, v5;
	v5 =	vmul.f32 v11, v5;
	v6 =	vsub.f32 v6, v12  }
0x104: {  	v10 =	vand.u32 $0xFFFF0000, v10;
	v50 =	vmul.f32 v13, v16;
	v9 =	vmul.f32 v49, v16  }
0x105: {  	v7 =	vmul.f32 v7, v16;
	v10 =	vmul.f32 v10, v16;
	v12 =	vsub.f32 $1.000000000e+00, v6  }
0x106: {  	v11 =	vadd.f32 v50, v14;
	v9 =	vadd.f32 v15, v9  }
0x107: {  	v7 =	vadd.f32 v7, v8;
	v5 =	vadd.f32 v5, v10  }
0x108: {  	v51 =	vmul.f32 v11, v12;
	v9 =	vmul.f32 v9, v6  }
0x109: {  	v7 =	vmul.f32 v7, v12;
	v5 =	vmul.f32 v5, v6;
	_ =	sdelay $0x1  }
0x10a: {  	v6 =	vadd.f32 v9, v51;
	v5 =	vadd.f32 v5, v7;
	v7 =	vadd.s32 s6, v0;
	_ =	sdelay $0x1  }
0x10b: {  	v6 =	vadd.s32 $0x8000, v6;
	v5 =	vadd.s32 $0x8000, v5  }
0x10c: {  	v6 =	vshrl.u32 v6, $0x10;
	v5 =	vand.u32 $0xFFFF0000, v5  }
0x10d: {  	v5 =	vor.u32 v5, v6  }
0x10e: {  	s0 =	simm.s32 $0x19900;
	[tilespmem:v7+s14+$0x0] =	vst.idx.msk $0xffff, v5  }
0x10f: {  	[tilespmem:s0], [sflag:$0x1] =	stream.indirect.gather [hbm4b:s8+s15], $0x1, s21, s15, $0xb8;
	[tilespmem:$0x1A900] =	vst v63  }
0x110: {  	s31 =	simm.s32 $0x19D00  }
0x111: {  	[tilespmem:s31], [sflag:$0x1] =	stream.indirect.gather [hbm4b:s8+s15], $0x1, s22, s15, $0xb8;
	[tilespmem:$0x1A900] =	vst v63  }
0x112: {  	s30 =	simm.s32 $0x1A100  }
0x113: {  	[tilespmem:s30], [sflag:$0x1] =	stream.indirect.gather [hbm4b:s8+s15], $0x1, s23, s15, $0xb8;
	[tilespmem:$0x1A900] =	vst v63  }
0x114: {  	s29 =	simm.s32 $0x1A500  }
0x115: {  	[tilespmem:s29], [sflag:$0x1] =	stream.indirect.gather [hbm4b:s8+s15], $0x1, s24, s15, $0xb8;
	[tilespmem:$0x1A900] =	vst v63  }
0x116: {  	_ =	swait.ge [sflag:s20], $0x400  }
0x117: {  	[sflag:s20] =	ssyncset.done $0x0  }
0x118: {  	[sflag:s20] =	ssyncadd.s32 $0xFFFFFC00  }
0x119: {  	_ =	swait.ge [sflag:s20], $0x400  }
0x11a: {  	[sflag:s20] =	ssyncset.done $0x0  }
0x11b: {  	[sflag:s20] =	ssyncadd.s32 $0xFFFFFC00  }
0x11c: {  	_ =	swait.ge [sflag:s20], $0x400  }
0x11d: {  	[sflag:s20] =	ssyncset.done $0x0  }
0x11e: {  	[sflag:s20] =	ssyncadd.s32 $0xFFFFFC00  }
0x11f: {  	_ =	swait.ge [sflag:s20], $0x400  }
0x120: {  	[sflag:s20] =	ssyncset.done $0x0  }
0x121: {  	s10 =	simm.s32 $0x15500;
	[sflag:s20] =	ssyncadd.s32 $0xFFFFFC00  }
0x122: {  	v5 =	vld [tilespmem:s10+$0x0];
	_ =	sdelay $0x1  }
0x123: {  	s4 =	simm.s32 $0x15900  }
0x124: {  	v6 =	vld [tilespmem:s4+$0x0];
	_ =	sdelay $0x1  }
0x125: {  	v5 =	vmax.f32 v5, $0.0e+00  }
0x126: {  	v5 =	vmin.f32 v5, $9.999989860e-01  }
0x127: {  	v7 =	vld [tilespmem:s0+$0x0];
	v5 =	vmul.f32 $1.023000000e+03, v5  }
0x128: {  	v52 =	vld [tilespmem:s31+$0x0];
	v6 =	vmax.f32 v6, $0.0e+00  }
0x129: {  	v54 =	vld [tilespmem:s30+$0x0];
	v6 =	vmin.f32 v6, $9.999989860e-01;
	v53 =	vtrunc.f32 v5  }
0x12a: {  	v55 =	vld [tilespmem:s29+$0x0];
	v6 =	vmul.f32 $1.023000000e+03, v6;
	v9 =	vcvt.f32.s32 v53;
	_ =	sdelay $0x1  }
0x12b: {  	v57 =	vshll.u32 v7, $0x10;
	v56 =	vtrunc.f32 v6;
	v9 =	vcvt.s32.f32 v9  }
0x12c: {  	v7 =	vand.u32 $0xFFFF0000, v7;
	v58 =	vshll.u32 v52, $0x10;
	v12 =	vcvt.f32.s32 v56  }
0x12d: {  	v8 =	vand.u32 $0xFFFF0000, v52;
	v59 =	vshll.u32 v54, $0x10;
	v5 =	vsub.f32 v5, v9  }
0x12e: {  	v60 =	vshll.u32 v55, $0x10;
	v11 =	vand.u32 $0xFFFF0000, v55;
	v12 =	vcvt.s32.f32 v12  }
0x12f: {  	v61 =	vsub.f32 $1.000000000e+00, v5;
	v14 =	vmul.f32 v58, v5;
	v15 =	vmul.f32 v60, v5  }
0x130: {  	v6 =	vsub.f32 v6, v12;
	v8 =	vmul.f32 v8, v5;
	v5 =	vmul.f32 v11, v5  }
0x131: {  	v10 =	vand.u32 $0xFFFF0000, v54;
	v62 =	vmul.f32 v57, v61;
	v9 =	vmul.f32 v59, v61  }
0x132: {  	v12 =	vsub.f32 $1.000000000e+00, v6;
	v7 =	vmul.f32 v7, v61;
	v10 =	vmul.f32 v10, v61  }
0x133: {  	v11 =	vadd.f32 v62, v14;
	v9 =	vadd.f32 v15, v9  }
0x134: {  	v7 =	vadd.f32 v7, v8;
	v5 =	vadd.f32 v5, v10  }
0x135: {  	v63 =	vmul.f32 v11, v12;
	v9 =	vmul.f32 v9, v6  }
0x136: {  	v7 =	vmul.f32 v7, v12;
	v5 =	vmul.f32 v5, v6  }
0x137: {  	s25 =	simm.s32 $0x6  }
0x138: {  	v6 =	vadd.f32 v9, v63;
	v5 =	vadd.f32 v5, v7;
	v7 =	vadd.s32 s25, v0;
	_ =	sdelay $0x1  }
0x139: {  	v6 =	vadd.s32 $0x8000, v6;
	v5 =	vadd.s32 $0x8000, v5  }
0x13a: {  	v6 =	vshrl.u32 v6, $0x10;
	v5 =	vand.u32 $0xFFFF0000, v5  }
0x13b: {  	v5 =	vor.u32 v5, v6  }
0x13c: {  	s10 =	simm.s32 $0x15510;
	[tilespmem:v7+s14+$0x0] =	vst.idx.msk $0xffff, v5  }
0x13d: {  	v5 =	vld [tilespmem:s10+$0x0]  }
0x13e: {  	s6 =	simm.s32 $0x76;
	s25 =	simm.s32 $0xE6  }
.LBB2_7:
0x13f: {  	p0 =	sne.s32 s25, $0x1B96;
	s4 =	sadd.s32 $0x10, s4  }
0x140: {  	v6 =	vld [tilespmem:s4+$0x0];
	_ =	sdelay $0x1  }
0x141: {  	v5 =	vmax.f32 v5, $0.0e+00  }
0x142: {  	s0 =	sadd.s32 $0x10, s0;
	v5 =	vmin.f32 v5, $9.999989860e-01  }
0x143: {  	s31 =	sadd.s32 $0x10, s31;
	v5 =	vmul.f32 $1.023000000e+03, v5;
	v7 =	vld [tilespmem:s0+$0x0]  }
0x144: {  	s30 =	sadd.s32 $0x10, s30;
	v6 =	vmax.f32 v6, $0.0e+00;
	v8 =	vld [tilespmem:s31+$0x0]  }
0x145: {  	s29 =	sadd.s32 $0x10, s29;
	v6 =	vmin.f32 v6, $9.999989860e-01;
	v9 =	vtrunc.f32 v5;
	v10 =	vld [tilespmem:s30+$0x0]  }
0x146: {  	v6 =	vmul.f32 $1.023000000e+03, v6;
	v9 =	vcvt.f32.s32 v9;
	v11 =	vld [tilespmem:s29+$0x0];
	_ =	sdelay $0x1  }
0x147: {  	v12 =	vtrunc.f32 v6;
	v9 =	vcvt.s32.f32 v9;
	v13 =	vshll.u32 v7, $0x10  }
0x148: {  	v7 =	vand.u32 $0xFFFF0000, v7;
	v12 =	vcvt.f32.s32 v12;
	v14 =	vshll.u32 v8, $0x10  }
0x149: {  	v8 =	vand.u32 $0xFFFF0000, v8;
	v5 =	vsub.f32 v5, v9;
	v9 =	vshll.u32 v10, $0x10  }
0x14a: {  	v12 =	vcvt.s32.f32 v12;
	v15 =	vshll.u32 v11, $0x10;
	v11 =	vand.u32 $0xFFFF0000, v11  }
0x14b: {  	v16 =	vsub.f32 $1.000000000e+00, v5;
	v14 =	vmul.f32 v14, v5;
	v15 =	vmul.f32 v15, v5  }
0x14c: {  	v8 =	vmul.f32 v8, v5;
	v5 =	vmul.f32 v11, v5;
	v6 =	vsub.f32 v6, v12  }
0x14d: {  	v10 =	vand.u32 $0xFFFF0000, v10;
	v11 =	vmul.f32 v13, v16;
	v9 =	vmul.f32 v9, v16  }
0x14e: {  	v7 =	vmul.f32 v7, v16;
	v10 =	vmul.f32 v10, v16;
	v12 =	vsub.f32 $1.000000000e+00, v6  }
0x14f: {  	v11 =	vadd.f32 v11, v14;
	v9 =	vadd.f32 v15, v9  }
0x150: {  	v7 =	vadd.f32 v7, v8;
	v5 =	vadd.f32 v5, v10  }
0x151: {  	v8 =	vmul.f32 v11, v12;
	v9 =	vmul.f32 v9, v6  }
0x152: {  	v7 =	vmul.f32 v7, v12;
	v5 =	vmul.f32 v5, v6;
	_ =	sdelay $0x1  }
0x153: {  	v6 =	vadd.f32 v9, v8;
	v5 =	vadd.f32 v5, v7;
	v7 =	vadd.s32 s6, v0;
	s6 =	smov.u32 s25;
	_ =	sdelay $0x1  }
0x154: {  	v6 =	vadd.s32 $0x8000, v6;
	v5 =	vadd.s32 $0x8000, v5  }
.Ltmp2:
0x155: {  	v6 =	vshrl.u32 v6, $0x10;
	v5 =	vand.u32 $0xFFFF0000, v5;
	(pc) =	sbr.rel @p0 .LBB2_7-.Ltmp2, $4  }
0x156: {  	v5 =	vor.u32 v5, v6  }
0x157: {  	s10 =	sadd.s32 $0x10, s10;
	[tilespmem:v7+s14+$0x0] =	vst.idx.msk $0xffff, v5  }
0x158: {  	v5 =	vld [tilespmem:s10+$0x0]  }
0x159: {  	s25 =	sadd.s32 $0x70, s25  }
0x15a: {  	s4 =	sadd.s32 $0x10, s4  }
0x15b: {  	v6 =	vld [tilespmem:s4+$0x0];
	_ =	sdelay $0x1  }
0x15c: {  	v5 =	vmax.f32 v5, $0.0e+00  }
0x15d: {  	s0 =	sadd.s32 $0x10, s0;
	v5 =	vmin.f32 v5, $9.999989860e-01  }
0x15e: {  	s10 =	sadd.s32 $0x10, s31;
	v7 =	vld [tilespmem:s0+$0x0];
	v5 =	vmul.f32 $1.023000000e+03, v5  }
0x15f: {  	s25 =	sadd.s32 $0x10, s30;
	v8 =	vld [tilespmem:s10+$0x0];
	v6 =	vmax.f32 v6, $0.0e+00  }
0x160: {  	s30 =	sadd.s32 $0x10, s29;
	v10 =	vld [tilespmem:s25+$0x0];
	v6 =	vmin.f32 v6, $9.999989860e-01;
	v9 =	vtrunc.f32 v5  }
0x161: {  	v11 =	vld [tilespmem:s30+$0x0];
	v6 =	vmul.f32 $1.023000000e+03, v6;
	v9 =	vcvt.f32.s32 v9;
	_ =	sdelay $0x1  }
0x162: {  	v13 =	vshll.u32 v7, $0x10;
	v12 =	vtrunc.f32 v6;
	v9 =	vcvt.s32.f32 v9  }
0x163: {  	v7 =	vand.u32 $0xFFFF0000, v7;
	v14 =	vshll.u32 v8, $0x10;
	v12 =	vcvt.f32.s32 v12  }
0x164: {  	v8 =	vand.u32 $0xFFFF0000, v8;
	v61 =	vshll.u32 v10, $0x10;
	v5 =	vsub.f32 v5, v9  }
0x165: {  	v15 =	vshll.u32 v11, $0x10;
	v11 =	vand.u32 $0xFFFF0000, v11;
	v12 =	vcvt.s32.f32 v12  }
0x166: {  	v16 =	vsub.f32 $1.000000000e+00, v5;
	v14 =	vmul.f32 v14, v5;
	v15 =	vmul.f32 v15, v5  }
0x167: {  	v8 =	vmul.f32 v8, v5;
	v5 =	vmul.f32 v11, v5;
	v6 =	vsub.f32 v6, v12  }
0x168: {  	v10 =	vand.u32 $0xFFFF0000, v10;
	v62 =	vmul.f32 v13, v16;
	v9 =	vmul.f32 v61, v16  }
0x169: {  	v7 =	vmul.f32 v7, v16;
	v10 =	vmul.f32 v10, v16;
	v12 =	vsub.f32 $1.000000000e+00, v6  }
0x16a: {  	v11 =	vadd.f32 v62, v14;
	v9 =	vadd.f32 v15, v9  }
0x16b: {  	v7 =	vadd.f32 v7, v8;
	v5 =	vadd.f32 v5, v10  }
0x16c: {  	v63 =	vmul.f32 v11, v12;
	v9 =	vmul.f32 v9, v6  }
0x16d: {  	v7 =	vmul.f32 v7, v12;
	v5 =	vmul.f32 v5, v6;
	_ =	sdelay $0x1  }
0x16e: {  	v6 =	vadd.f32 v9, v63;
	v5 =	vadd.f32 v5, v7;
	v7 =	vadd.s32 s6, v0;
	_ =	sdelay $0x1  }
0x16f: {  	s31 =	smul.u32 $0x7, s28;
	v6 =	vadd.s32 $0x8000, v6;
	v5 =	vadd.s32 $0x8000, v5  }
0x170: {  	s26 =	sadd.s32 $0x1, s26;
	v6 =	vshrl.u32 v6, $0x10;
	v5 =	vand.u32 $0xFFFF0000, v5  }
0x171: {  	p0 =	sne.s32 s26, $0x20;
	s0 =	sshrl.u32 s31, $0x3;
	v5 =	vor.u32 v5, v6  }
.Ltmp3:
0x172: {  	s0 =	sadd.s32 s2, s0;
	[tilespmem:v7+s14+$0x0] =	vst.idx.msk $0xffff, v5;
	(pc) =	sbr.rel @p0 .LBB2_2-.Ltmp3, $4  }
0x173: {  	[hbm4b:s0+s3] =	stream.linear.scatter [tilespmem:s14], [sflag:$0x2], $0x1C00, $0x38;
	[tilespmem:$0x1A900] =	vst v63  }
0x174: {  	_ =	swait.ge [sflag:s11], $0x1C00  }
0x175: {  	[sflag:s11] =	ssyncset.done $0x0  }
0x176: {  	[sflag:s11] =	ssyncadd.s32 $0xFFFFE400  }
0x177: {  	s4 =	rddreg [dreg:$0x5]  }
0x178: {  	s0 =	rddreg [dreg:$0x4];
	s4 =	sadd.s32 $0x1, s4  }
0x179: {  	p0 =	sne.s32 s4, s0  }
.Ltmp4:
0x17a: {  	_ = 	snop;
	(pc) =	sbr.rel @p0 .LBB2_1-.Ltmp4, $1  }
0x17b: {  	_ =	sdelay $0x3  }
0x17c: {  	_ =	sfence.sel $0x180000  }
0x17d: {  	[bflag:$0x0] =	sbarrier.arrive $0xFFFF  }
0x17e: {  	_ =	strace $0x90000047  }
0x17f: {  	s0 =	stileid.u32;
	[bflag:$0x2] =	sbarrier.arrive $0xFFFF  }
0x180: {  	p0 =	sne.s32 s0, $0x0;
	s0 =	rddreg [dreg:$0x2]  }
0x181: {  	s0 =	sadd.s32 @!p0 $0x100000, s0  }
0x182: {  	[sflag:s0] =	ssyncadd.tile.s32 @!p0 $0x1;
	_ =	shalt  }
.Lfunc_end2:
_tile_overlayer_lowered:
.L_overlay_start_2:
0x183: {  	(tag) =	ssettag $0x2  }
0x184: {  	s0 =	rddreg [dreg:$0x0];
	s2 =	stileid.u32  }
0x185: {  	s1 =	rddreg [dreg:$0x1];
	p0 =	sne.s32 s2, $0x0  }
0x186: {  	s3 =	rddreg [dreg:$0x2];
	[bflag:$0x3] =	sbarrier.arrive $0xFFFF;
	s2 =	simm.s32 @!p0 $0x1C02  }
0x187: {  	[timem:s3], [sflag:s2] =	dma.local @!p0 [hbm:s0], s1  }
0x188: {  	s0 =	simm.s32 @!p0 $0x2  }
0x189: {  	_ =	swait.ge @!p0 [sflag:s0], s1  }
0x18a: {  	s1 =	ssub.s32 @!p0 $0x0, s1;
	[sflag:s0] =	ssyncset.done @!p0 $0x0  }
0x18b: {  	[sflag:s0] =	ssyncadd.s32 @!p0 s1  }
0x18c: {  	[bflag:$0x3] =	sbarrier.arrive $0xFFFF  }
0x18d: {  	_ =	shalt  }

</sc_bundles>
